<compile_context>
chip_gen: v7x
topology: tpu7x:2x2x1
jax: 0.10.2.dev20260603
libtpu: 0.0.44.dev20260713+nightly
codegen_flags: <defaults>
</compile_context>

<pallas_src>
import dataclasses
import functools

import jax
import jax.numpy as jnp
from jax import lax
from jax.experimental import pallas as pl
from jax.experimental.pallas import tpu as pltpu
from jax.experimental.pallas import tpu_sc as plsc

N_CORES = 2
N_SUBCORES = 16
N_WORKERS = N_CORES * N_SUBCORES
LANES = 16
C_PER_TILE = 4

EDGE_CHUNK = 16000
NBUF = 2
GROUP_UNROLL = 4


def _scatter_accumulate(xt, edges, n_nodes, n_chunks):
    mesh = plsc.VectorSubcoreMesh(core_axis_name="c", subcore_axis_name="s")
    cp = pltpu.CompilerParams()
    if "needs_layout_passes" in pltpu.CompilerParams.__dataclass_fields__:
        cp = dataclasses.replace(cp, needs_layout_passes=False)

    n_pairs = C_PER_TILE // 2

    @functools.partial(
        pl.kernel,
        compiler_params=cp,
        out_type=jax.ShapeDtypeStruct((N_WORKERS * C_PER_TILE, n_nodes), jnp.float32),
        mesh=mesh,
        scratch_types=(
            [pltpu.VMEM((n_nodes,), jnp.int32) for _ in range(n_pairs)]
            + [pltpu.VMEM((n_nodes,), jnp.float32) for _ in range(C_PER_TILE)]
            + [
                pltpu.VMEM((2, EDGE_CHUNK), jnp.int32),
                pltpu.VMEM((2, EDGE_CHUNK), jnp.int32),
                pltpu.SemaphoreType.DMA,
                pltpu.SemaphoreType.DMA,
            ]
        ),
    )
    def sc_kernel(xt_hbm, e_hbm, o_hbm, xp0, xp1, a0, a1, a2, a3,
                  ebuf0, ebuf1, sem0, sem1):
        ebufs = (ebuf0, ebuf1)
        xps = (xp0, xp1)
        accs = (a0, a1, a2, a3)
        sems = (sem0, sem1)
        wid = lax.axis_index("c") * N_SUBCORES + lax.axis_index("s")
        pair0 = wid * n_pairs

        for j in range(n_pairs):
            pltpu.sync_copy(xt_hbm.at[pair0 + j], xps[j])

        zeros = jnp.zeros((LANES,), jnp.float32)

        @pl.loop(0, n_nodes, step=LANES)
        def _(i):
            for j in range(C_PER_TILE):
                accs[j][pl.ds(i, LANES)] = zeros

        for b in range(NBUF):
            pltpu.make_async_copy(e_hbm.at[b], ebufs[b], sems[b]).start()

        himask = jnp.int32(-65536)

        def process(buf):
            @plsc.parallel_loop(0, EDGE_CHUNK, step=LANES, unroll=GROUP_UNROLL)
            def _(i):
                pk = buf[0, pl.ds(i, LANES)]
                wv = plsc.bitcast(buf[1, pl.ds(i, LANES)], jnp.float32)
                s = pk >> 14
                d = pk & 16383
                for j in range(n_pairs):
                    g = plsc.load_gather(xps[j], [s])
                    vlo = plsc.bitcast(g << 16, jnp.float32)
                    vhi = plsc.bitcast(g & himask, jnp.float32)
                    plsc.addupdate_scatter(accs[2 * j], [d], vlo * wv)
                    plsc.addupdate_scatter(accs[2 * j + 1], [d], vhi * wv)

        @pl.loop(0, n_chunks, step=NBUF)
        def _(c):
            for b in range(NBUF):
                cur = c + b
                pltpu.make_async_copy(e_hbm.at[cur], ebufs[b], sems[b]).wait()
                process(ebufs[b])
                nxt = cur + NBUF

                @pl.when(nxt < n_chunks)
                def _():
                    pltpu.make_async_copy(
                        e_hbm.at[nxt], ebufs[b], sems[b]
                    ).start()

        for j in range(C_PER_TILE):
            pltpu.sync_copy(accs[j], o_hbm.at[wid * C_PER_TILE + j])

    return sc_kernel(xt, edges)


def _project(st, w, b):
    d, n = st.shape
    c = w.shape[1]

    def body(st_ref, w_ref, b_ref, o_ref):
        o_ref[...] = (
            lax.dot_general(
                st_ref[...].astype(jnp.bfloat16),
                w_ref[...].astype(jnp.bfloat16),
                dimension_numbers=(((0,), (0,)), ((), ())),
                preferred_element_type=jnp.float32,
            )
            + b_ref[...]
        )

    return pl.pallas_call(
        body,
        out_shape=jax.ShapeDtypeStruct((n, c), jnp.float32),
    )(st, w, b.reshape(1, c))


def kernel(x, edge_index, edge_weight, kernel, bias):
    n_nodes, d_feat = x.shape
    n_edges = edge_index.shape[1]

    dst = edge_index[0].astype(jnp.int32)
    src = edge_index[1].astype(jnp.int32)
    pack = (src << 14) | dst

    wbits = lax.bitcast_convert_type(edge_weight.astype(jnp.float32), jnp.int32)

    n_chunks = -(-n_edges // EDGE_CHUNK)
    n_chunks += n_chunks % NBUF
    e_pad = n_chunks * EDGE_CHUNK
    pad = e_pad - n_edges
    if pad:
        pack = jnp.pad(pack, (0, pad))
        wbits = jnp.pad(wbits, (0, pad))
    edges = jnp.stack(
        [pack.reshape(n_chunks, EDGE_CHUNK), wbits.reshape(n_chunks, EDGE_CHUNK)],
        axis=1,
    )

    xu = lax.bitcast_convert_type(
        x.astype(jnp.bfloat16), jnp.uint16
    ).astype(jnp.uint32)
    xt = lax.bitcast_convert_type(
        (xu[:, 1::2] << 16) | xu[:, 0::2], jnp.int32
    ).T

    st = _scatter_accumulate(xt, edges, n_nodes, n_chunks)

    return _project(st, kernel, bias)

# --- scband reference (transcript-rebuilt; emitter-appended) ---
"""Pipeline reference for scband-graph-conv-3676492005525 (READ-ONLY COPY).

The authoritative reference and input builder live on the scoring server;
editing this copy changes nothing except your own understanding.
"""

import jax, jax.numpy as jnp
import numpy as np

N_NODES = 10000
N_EDGES = 320000
D_FEAT = 128
CHANNELS = 128


def setup_inputs(seed: int = 0) -> dict:
    key = jax.random.key(seed)
    k1, k2, k3, k4, k5, k6 = jax.random.split(key, 6)
    x = jax.random.normal(k1, (N_NODES, D_FEAT), dtype=jnp.float32)
    edge_index = jax.random.randint(k2, (2, N_EDGES), 0, N_NODES, dtype=jnp.int64)
    # normalized adjacency values (sparse fltr entries), e.g. from localpooling_filter
    edge_weight = jax.random.uniform(k3, (N_EDGES,), dtype=jnp.float32)
    # glorot_uniform kernel
    limit = float(np.sqrt(6.0 / (D_FEAT + CHANNELS)))
    kernel = jax.random.uniform(k4, (D_FEAT, CHANNELS), dtype=jnp.float32, minval=-limit, maxval=limit)
    bias = jnp.zeros((CHANNELS,), dtype=jnp.float32)
    return {"x": x, "edge_index": edge_index, "edge_weight": edge_weight, "kernel": kernel, "bias": bias}


def reference(x, edge_index, edge_weight, kernel, bias):
    # GraphConv (Kipf & Welling): Z = A_hat @ (X W) + b  (single mode, sparse fltr)
    h = jnp.dot(x, kernel)                       # X W : [N, C]
    dst = edge_index[0]                          # row index i of fltr[i, j]
    src = edge_index[1]                          # col index j of fltr[i, j]
    msgs = jnp.take(h, src, axis=0) * edge_weight[:, None]   # gather + scale
    out = jax.ops.segment_sum(msgs, dst, num_segments=N_NODES)  # scatter-add (sparse matmul)
    out = out + bias                             # bias_add
    # activation is None (linear) per init_kwargs
    return out

if __name__ == "__main__":
    import jax
    _d = setup_inputs()
    print(jax.jit(kernel)(*tuple(_d.values())))

</pallas_src>

<mosaic_0001>
#map = affine_map<(d0, d1) -> (0, 0)>
#map1 = affine_map<(d0, d1) -> (0, 0, 0)>
module attributes {stable_mosaic.version = 14 : i64} {
  func.func @sc_kernel(%arg0: i32, %arg1: i32, %arg2: memref<64x10000xi32, #tpu.memory_space<hbm>>, %arg3: memref<20x2x16000xi32, #tpu.memory_space<hbm>>, %arg4: memref<128x10000xf32, #tpu.memory_space<hbm>>, %arg5: memref<10000xi32, #tpu.memory_space<vmem>>, %arg6: memref<10000xi32, #tpu.memory_space<vmem>>, %arg7: memref<10000xf32, #tpu.memory_space<vmem>>, %arg8: memref<10000xf32, #tpu.memory_space<vmem>>, %arg9: memref<10000xf32, #tpu.memory_space<vmem>>, %arg10: memref<10000xf32, #tpu.memory_space<vmem>>, %arg11: memref<2x16000xi32, #tpu.memory_space<vmem>>, %arg12: memref<2x16000xi32, #tpu.memory_space<vmem>>, %arg13: memref<!tpu.dma_semaphore, #tpu.memory_space<semaphore_mem>>, %arg14: memref<!tpu.dma_semaphore, #tpu.memory_space<semaphore_mem>>) attributes {dimension_semantics = [#tpu.dimension_semantics<core_parallel>, #tpu.dimension_semantics<subcore_parallel>], iteration_bounds = array<i64: 2, 16>, scalar_prefetch = 0 : i64, scratch_operands = 10 : i64, tpu.core_type = #tpu.core_type<sc_vector_subcore>, window_params = [{transform_indices = #map}, {transform_indices = #map1}, {transform_indices = #map}]} {
    %mul3A = arith.constant 16 : i32
    %mul3A_0 = arith.muli %arg0, %mul3A : i32
    %add3A = arith.addi %mul3A_0, %arg1 : i32
    %mul3A_1 = arith.constant 2 : i32
    %mul3A_2 = arith.muli %add3A, %mul3A_1 : i32
    %add3A_3 = arith.constant 0 : i32
    %add3A_4 = arith.addi %mul3A_2, %add3A_3 : i32
    "tpu.region"() ({
      %run_scoped3A = tpu.sem_alloc : memref<!tpu.dma_semaphore, #tpu.memory_space<semaphore_mem>>
      %dma_start3A_51 = arith.constant 0 : i32
      %dma_start3A_52 = tpu.memref_slice %arg2[%add3A_4, %dma_start3A_51] : memref<64x10000xi32, #tpu.memory_space<hbm>> -> memref<1x10000xi32, #tpu.memory_space<hbm>>
      %dma_start3A_53 = tpu.memref_squeeze %dma_start3A_52 : memref<1x10000xi32, #tpu.memory_space<hbm>> -> memref<10000xi32, #tpu.memory_space<hbm>>
      %dma_start3A_54 = arith.constant 0 : i32
      %dma_start3A_55 = tpu.memref_slice %arg2[%add3A_4, %dma_start3A_54] : memref<64x10000xi32, #tpu.memory_space<hbm>> -> memref<1x10000xi32, #tpu.memory_space<hbm>>
      %dma_start3A_56 = tpu.memref_squeeze %dma_start3A_55 : memref<1x10000xi32, #tpu.memory_space<hbm>> -> memref<10000xi32, #tpu.memory_space<hbm>>
      tpu.enqueue_dma source(%dma_start3A_56 : memref<10000xi32, #tpu.memory_space<hbm>>) target(%arg5 : memref<10000xi32, #tpu.memory_space<vmem>>) target_semaphore(%run_scoped3A : memref<!tpu.dma_semaphore, #tpu.memory_space<semaphore_mem>>)
      %dma_wait3A = arith.constant 0 : i32
      %dma_wait3A_57 = tpu.memref_slice %arg2[%add3A_4, %dma_wait3A] : memref<64x10000xi32, #tpu.memory_space<hbm>> -> memref<1x10000xi32, #tpu.memory_space<hbm>>
      %dma_wait3A_58 = tpu.memref_squeeze %dma_wait3A_57 : memref<1x10000xi32, #tpu.memory_space<hbm>> -> memref<10000xi32, #tpu.memory_space<hbm>>
      %dma_wait3A_59 = arith.constant 0 : i32
      %dma_wait3A_60 = tpu.memref_slice %arg2[%add3A_4, %dma_wait3A_59] : memref<64x10000xi32, #tpu.memory_space<hbm>> -> memref<1x10000xi32, #tpu.memory_space<hbm>>
      %dma_wait3A_61 = tpu.memref_squeeze %dma_wait3A_60 : memref<1x10000xi32, #tpu.memory_space<hbm>> -> memref<10000xi32, #tpu.memory_space<hbm>>
      tpu.wait_dma2 semaphore(%run_scoped3A : memref<!tpu.dma_semaphore, #tpu.memory_space<semaphore_mem>>) src(%dma_wait3A_61 : memref<10000xi32, #tpu.memory_space<hbm>>) dst(%arg5 : memref<10000xi32, #tpu.memory_space<vmem>>)
      tpu.yield
    }) : () -> ()
    %add3A_5 = arith.constant 1 : i32
    %add3A_6 = arith.addi %mul3A_2, %add3A_5 : i32
    "tpu.region"() ({
      %run_scoped3A = tpu.sem_alloc : memref<!tpu.dma_semaphore, #tpu.memory_space<semaphore_mem>>
      %dma_start3A_51 = arith.constant 0 : i32
      %dma_start3A_52 = tpu.memref_slice %arg2[%add3A_6, %dma_start3A_51] : memref<64x10000xi32, #tpu.memory_space<hbm>> -> memref<1x10000xi32, #tpu.memory_space<hbm>>
      %dma_start3A_53 = tpu.memref_squeeze %dma_start3A_52 : memref<1x10000xi32, #tpu.memory_space<hbm>> -> memref<10000xi32, #tpu.memory_space<hbm>>
      %dma_start3A_54 = arith.constant 0 : i32
      %dma_start3A_55 = tpu.memref_slice %arg2[%add3A_6, %dma_start3A_54] : memref<64x10000xi32, #tpu.memory_space<hbm>> -> memref<1x10000xi32, #tpu.memory_space<hbm>>
      %dma_start3A_56 = tpu.memref_squeeze %dma_start3A_55 : memref<1x10000xi32, #tpu.memory_space<hbm>> -> memref<10000xi32, #tpu.memory_space<hbm>>
      tpu.enqueue_dma source(%dma_start3A_56 : memref<10000xi32, #tpu.memory_space<hbm>>) target(%arg6 : memref<10000xi32, #tpu.memory_space<vmem>>) target_semaphore(%run_scoped3A : memref<!tpu.dma_semaphore, #tpu.memory_space<semaphore_mem>>)
      %dma_wait3A = arith.constant 0 : i32
      %dma_wait3A_57 = tpu.memref_slice %arg2[%add3A_6, %dma_wait3A] : memref<64x10000xi32, #tpu.memory_space<hbm>> -> memref<1x10000xi32, #tpu.memory_space<hbm>>
      %dma_wait3A_58 = tpu.memref_squeeze %dma_wait3A_57 : memref<1x10000xi32, #tpu.memory_space<hbm>> -> memref<10000xi32, #tpu.memory_space<hbm>>
      %dma_wait3A_59 = arith.constant 0 : i32
      %dma_wait3A_60 = tpu.memref_slice %arg2[%add3A_6, %dma_wait3A_59] : memref<64x10000xi32, #tpu.memory_space<hbm>> -> memref<1x10000xi32, #tpu.memory_space<hbm>>
      %dma_wait3A_61 = tpu.memref_squeeze %dma_wait3A_60 : memref<1x10000xi32, #tpu.memory_space<hbm>> -> memref<10000xi32, #tpu.memory_space<hbm>>
      tpu.wait_dma2 semaphore(%run_scoped3A : memref<!tpu.dma_semaphore, #tpu.memory_space<semaphore_mem>>) src(%dma_wait3A_61 : memref<10000xi32, #tpu.memory_space<hbm>>) dst(%arg6 : memref<10000xi32, #tpu.memory_space<vmem>>)
      tpu.yield
    }) : () -> ()
    %broadcast_in_dim3A = arith.constant 0.000000e+00 : f32
    %broadcast_in_dim3A_7 = vector.broadcast %broadcast_in_dim3A : f32 to vector<16xf32>
    %scan3A = arith.constant 0 : i32
    %scan3A_8 = arith.constant 625 : i32
    %scan3A_9 = arith.addi %scan3A, %scan3A_8 : i32
    %scan3A_10 = arith.constant 1 : i32
    scf.for %scan3A_51 = %scan3A to %scan3A_9 step %scan3A_10  : i32 {
      %mul3A_52 = arith.constant 16 : i32
      %mul3A_53 = arith.muli %scan3A_51, %mul3A_52 : i32
      %add3A_54 = arith.constant 0 : i32
      %add3A_55 = arith.addi %add3A_54, %mul3A_53 : i32
      %swap3A = arith.index_cast %add3A_55 : i32 to index
      %swap3A_56 = tpu.vector_load %arg7[%swap3A] {strides = array<i32>} : memref<10000xf32, #tpu.memory_space<vmem>>, vector<16xf32>,
      tpu.vector_store %arg7[%swap3A], %broadcast_in_dim3A_7 {strides = array<i32>} : memref<10000xf32, #tpu.memory_space<vmem>>, vector<16xf32>,
      %swap3A_57 = arith.index_cast %add3A_55 : i32 to index
      %swap3A_58 = tpu.vector_load %arg8[%swap3A_57] {strides = array<i32>} : memref<10000xf32, #tpu.memory_space<vmem>>, vector<16xf32>,
      tpu.vector_store %arg8[%swap3A_57], %broadcast_in_dim3A_7 {strides = array<i32>} : memref<10000xf32, #tpu.memory_space<vmem>>, vector<16xf32>,
      %swap3A_59 = arith.index_cast %add3A_55 : i32 to index
      %swap3A_60 = tpu.vector_load %arg9[%swap3A_59] {strides = array<i32>} : memref<10000xf32, #tpu.memory_space<vmem>>, vector<16xf32>,
      tpu.vector_store %arg9[%swap3A_59], %broadcast_in_dim3A_7 {strides = array<i32>} : memref<10000xf32, #tpu.memory_space<vmem>>, vector<16xf32>,
      %swap3A_61 = arith.index_cast %add3A_55 : i32 to index
      %swap3A_62 = tpu.vector_load %arg10[%swap3A_61] {strides = array<i32>} : memref<10000xf32, #tpu.memory_space<vmem>>, vector<16xf32>,
      tpu.vector_store %arg10[%swap3A_61], %broadcast_in_dim3A_7 {strides = array<i32>} : memref<10000xf32, #tpu.memory_space<vmem>>, vector<16xf32>,
    }
    %scan3A_11 = arith.constant 625 : i32
    %dma_start3A = arith.constant 0 : i32
    %dma_start3A_12 = arith.constant 0 : i32
    %dma_start3A_13 = arith.constant 0 : i32
    %dma_start3A_14 = tpu.memref_slice %arg3[%dma_start3A, %dma_start3A_12, %dma_start3A_13] : memref<20x2x16000xi32, #tpu.memory_space<hbm>> -> memref<1x2x16000xi32, #tpu.memory_space<hbm>>
    %dma_start3A_15 = tpu.memref_squeeze %dma_start3A_14 : memref<1x2x16000xi32, #tpu.memory_space<hbm>> -> memref<2x16000xi32, #tpu.memory_space<hbm>>
    %dma_start3A_16 = arith.constant 0 : i32
    %dma_start3A_17 = arith.constant 0 : i32
    %dma_start3A_18 = tpu.memref_slice %arg3[%dma_start3A, %dma_start3A_16, %dma_start3A_17] : memref<20x2x16000xi32, #tpu.memory_space<hbm>> -> memref<1x2x16000xi32, #tpu.memory_space<hbm>>
    %dma_start3A_19 = tpu.memref_squeeze %dma_start3A_18 : memref<1x2x16000xi32, #tpu.memory_space<hbm>> -> memref<2x16000xi32, #tpu.memory_space<hbm>>
    tpu.enqueue_dma source(%dma_start3A_19 : memref<2x16000xi32, #tpu.memory_space<hbm>>) target(%arg11 : memref<2x16000xi32, #tpu.memory_space<vmem>>) target_semaphore(%arg13 : memref<!tpu.dma_semaphore, #tpu.memory_space<semaphore_mem>>)
    %dma_start3A_20 = arith.constant 1 : i32
    %dma_start3A_21 = arith.constant 0 : i32
    %dma_start3A_22 = arith.constant 0 : i32
    %dma_start3A_23 = tpu.memref_slice %arg3[%dma_start3A_20, %dma_start3A_21, %dma_start3A_22] : memref<20x2x16000xi32, #tpu.memory_space<hbm>> -> memref<1x2x16000xi32, #tpu.memory_space<hbm>>
    %dma_start3A_24 = tpu.memref_squeeze %dma_start3A_23 : memref<1x2x16000xi32, #tpu.memory_space<hbm>> -> memref<2x16000xi32, #tpu.memory_space<hbm>>
    %dma_start3A_25 = arith.constant 0 : i32
    %dma_start3A_26 = arith.constant 0 : i32
    %dma_start3A_27 = tpu.memref_slice %arg3[%dma_start3A_20, %dma_start3A_25, %dma_start3A_26] : memref<20x2x16000xi32, #tpu.memory_space<hbm>> -> memref<1x2x16000xi32, #tpu.memory_space<hbm>>
    %dma_start3A_28 = tpu.memref_squeeze %dma_start3A_27 : memref<1x2x16000xi32, #tpu.memory_space<hbm>> -> memref<2x16000xi32, #tpu.memory_space<hbm>>
    tpu.enqueue_dma source(%dma_start3A_28 : memref<2x16000xi32, #tpu.memory_space<hbm>>) target(%arg12 : memref<2x16000xi32, #tpu.memory_space<vmem>>) target_semaphore(%arg14 : memref<!tpu.dma_semaphore, #tpu.memory_space<semaphore_mem>>)
    %scan3A_29 = arith.constant -65536 : i32
    %scan3A_30 = arith.constant 0 : i32
    %scan3A_31 = arith.constant 10 : i32
    %scan3A_32 = arith.addi %scan3A_30, %scan3A_31 : i32
    %scan3A_33 = arith.constant 1 : i32
    scf.for %scan3A_51 = %scan3A_30 to %scan3A_32 step %scan3A_33  : i32 {
      %mul3A_52 = arith.constant 2 : i32
      %mul3A_53 = arith.muli %scan3A_51, %mul3A_52 : i32
      %add3A_54 = arith.constant 0 : i32
      %add3A_55 = arith.addi %add3A_54, %mul3A_53 : i32
      %add3A_56 = arith.constant 0 : i32
      %add3A_57 = arith.addi %add3A_55, %add3A_56 : i32
      %dma_wait3A = arith.constant 0 : i32
      %dma_wait3A_58 = arith.constant 0 : i32
      %dma_wait3A_59 = tpu.memref_slice %arg3[%add3A_57, %dma_wait3A, %dma_wait3A_58] : memref<20x2x16000xi32, #tpu.memory_space<hbm>> -> memref<1x2x16000xi32, #tpu.memory_space<hbm>>
      %dma_wait3A_60 = tpu.memref_squeeze %dma_wait3A_59 : memref<1x2x16000xi32, #tpu.memory_space<hbm>> -> memref<2x16000xi32, #tpu.memory_space<hbm>>
      %dma_wait3A_61 = arith.constant 0 : i32
      %dma_wait3A_62 = arith.constant 0 : i32
      %dma_wait3A_63 = tpu.memref_slice %arg3[%add3A_57, %dma_wait3A_61, %dma_wait3A_62] : memref<20x2x16000xi32, #tpu.memory_space<hbm>> -> memref<1x2x16000xi32, #tpu.memory_space<hbm>>
      %dma_wait3A_64 = tpu.memref_squeeze %dma_wait3A_63 : memref<1x2x16000xi32, #tpu.memory_space<hbm>> -> memref<2x16000xi32, #tpu.memory_space<hbm>>
      tpu.wait_dma2 semaphore(%arg13 : memref<!tpu.dma_semaphore, #tpu.memory_space<semaphore_mem>>) src(%dma_wait3A_64 : memref<2x16000xi32, #tpu.memory_space<hbm>>) dst(%arg11 : memref<2x16000xi32, #tpu.memory_space<vmem>>)
      %parallel_loop3A = arith.constant 0 : i32
      %parallel_loop3A_65 = arith.constant 16000 : i32
      %parallel_loop3A_66 = arith.constant 16 : i32
      scf.for %parallel_loop3A_91 = %parallel_loop3A to %parallel_loop3A_65 step %parallel_loop3A_66  : i32 {
        %parallel_loop3A_92 = arith.constant 0 : i32
        %parallel_loop3A_93 = arith.index_cast %parallel_loop3A_92 : i32 to index
        %parallel_loop3A_94 = arith.index_cast %parallel_loop3A_91 : i32 to index
        %parallel_loop3A_95 = tpu.vector_load %arg11[%parallel_loop3A_93, %parallel_loop3A_94] {strides = array<i32>} : memref<2x16000xi32, #tpu.memory_space<vmem>>, vector<16xi32>,
        %parallel_loop3A_96 = arith.constant 1 : i32
        %parallel_loop3A_97 = arith.index_cast %parallel_loop3A_96 : i32 to index
        %parallel_loop3A_98 = arith.index_cast %parallel_loop3A_91 : i32 to index
        %parallel_loop3A_99 = tpu.vector_load %arg11[%parallel_loop3A_97, %parallel_loop3A_98] {strides = array<i32>} : memref<2x16000xi32, #tpu.memory_space<vmem>>, vector<16xi32>,
        %parallel_loop3A_100 = vector.bitcast %parallel_loop3A_99 : vector<16xi32> to vector<16xf32>
        %parallel_loop3A_101 = arith.constant 14 : i32
        %parallel_loop3A_102 = vector.broadcast %parallel_loop3A_101 : i32 to vector<16xi32>
        %parallel_loop3A_103 = arith.shrsi %parallel_loop3A_95, %parallel_loop3A_102 : vector<16xi32>
        %parallel_loop3A_104 = arith.constant 16383 : i32
        %parallel_loop3A_105 = vector.broadcast %parallel_loop3A_104 : i32 to vector<16xi32>
        %parallel_loop3A_106 = arith.andi %parallel_loop3A_95, %parallel_loop3A_105 : vector<16xi32>
        %parallel_loop3A_107 = tpu.vector_load_idx %arg5[%parallel_loop3A_103] : memref<10000xi32, #tpu.memory_space<vmem>>[vector<16xi32>], vector<16xi32>,
        %parallel_loop3A_108 = arith.constant 16 : i32
        %parallel_loop3A_109 = vector.broadcast %parallel_loop3A_108 : i32 to vector<16xi32>
        %parallel_loop3A_110 = arith.shli %parallel_loop3A_107, %parallel_loop3A_109 : vector<16xi32>
        %parallel_loop3A_111 = vector.bitcast %parallel_loop3A_110 : vector<16xi32> to vector<16xf32>
        %parallel_loop3A_112 = vector.broadcast %scan3A_29 : i32 to vector<16xi32>
        %parallel_loop3A_113 = arith.andi %parallel_loop3A_107, %parallel_loop3A_112 : vector<16xi32>
        %parallel_loop3A_114 = vector.bitcast %parallel_loop3A_113 : vector<16xi32> to vector<16xf32>
        %parallel_loop3A_115 = arith.mulf %parallel_loop3A_111, %parallel_loop3A_100 : vector<16xf32>
        tpu.vector_store_idx %arg7[%parallel_loop3A_106], %parallel_loop3A_115 {add = true} : memref<10000xf32, #tpu.memory_space<vmem>>[vector<16xi32>], vector<16xf32>,
        %parallel_loop3A_116 = arith.mulf %parallel_loop3A_114, %parallel_loop3A_100 : vector<16xf32>
        tpu.vector_store_idx %arg8[%parallel_loop3A_106], %parallel_loop3A_116 {add = true} : memref<10000xf32, #tpu.memory_space<vmem>>[vector<16xi32>], vector<16xf32>,
        %parallel_loop3A_117 = tpu.vector_load_idx %arg6[%parallel_loop3A_103] : memref<10000xi32, #tpu.memory_space<vmem>>[vector<16xi32>], vector<16xi32>,
        %parallel_loop3A_118 = arith.constant 16 : i32
        %parallel_loop3A_119 = vector.broadcast %parallel_loop3A_118 : i32 to vector<16xi32>
        %parallel_loop3A_120 = arith.shli %parallel_loop3A_117, %parallel_loop3A_119 : vector<16xi32>
        %parallel_loop3A_121 = vector.bitcast %parallel_loop3A_120 : vector<16xi32> to vector<16xf32>
        %parallel_loop3A_122 = vector.broadcast %scan3A_29 : i32 to vector<16xi32>
        %parallel_loop3A_123 = arith.andi %parallel_loop3A_117, %parallel_loop3A_122 : vector<16xi32>
        %parallel_loop3A_124 = vector.bitcast %parallel_loop3A_123 : vector<16xi32> to vector<16xf32>
        %parallel_loop3A_125 = arith.mulf %parallel_loop3A_121, %parallel_loop3A_100 : vector<16xf32>
        tpu.vector_store_idx %arg9[%parallel_loop3A_106], %parallel_loop3A_125 {add = true} : memref<10000xf32, #tpu.memory_space<vmem>>[vector<16xi32>], vector<16xf32>,
        %parallel_loop3A_126 = arith.mulf %parallel_loop3A_124, %parallel_loop3A_100 : vector<16xf32>
        tpu.vector_store_idx %arg10[%parallel_loop3A_106], %parallel_loop3A_126 {add = true} : memref<10000xf32, #tpu.memory_space<vmem>>[vector<16xi32>], vector<16xf32>,
      } {sc.loop_unroll_factor = 4 : i64, sc.parallel_access}
      %add3A_67 = arith.constant 2 : i32
      %add3A_68 = arith.addi %add3A_57, %add3A_67 : i32
      %lt3A = arith.constant 20 : i32
      %lt3A_69 = arith.cmpi slt, %add3A_68, %lt3A : i32
      %convert_element_type3A = arith.extui %lt3A_69 : i1 to i32
      %cond3A = arith.constant 0 : i32
      %cond3A_70 = arith.cmpi ne, %convert_element_type3A, %cond3A : i32
      scf.if %cond3A_70 {
        %dma_start3A_91 = arith.constant 0 : i32
        %dma_start3A_92 = arith.constant 0 : i32
        %dma_start3A_93 = tpu.memref_slice %arg3[%add3A_68, %dma_start3A_91, %dma_start3A_92] : memref<20x2x16000xi32, #tpu.memory_space<hbm>> -> memref<1x2x16000xi32, #tpu.memory_space<hbm>>
        %dma_start3A_94 = tpu.memref_squeeze %dma_start3A_93 : memref<1x2x16000xi32, #tpu.memory_space<hbm>> -> memref<2x16000xi32, #tpu.memory_space<hbm>>
        %dma_start3A_95 = arith.constant 0 : i32
        %dma_start3A_96 = arith.constant 0 : i32
        %dma_start3A_97 = tpu.memref_slice %arg3[%add3A_68, %dma_start3A_95, %dma_start3A_96] : memref<20x2x16000xi32, #tpu.memory_space<hbm>> -> memref<1x2x16000xi32, #tpu.memory_space<hbm>>
        %dma_start3A_98 = tpu.memref_squeeze %dma_start3A_97 : memref<1x2x16000xi32, #tpu.memory_space<hbm>> -> memref<2x16000xi32, #tpu.memory_space<hbm>>
        tpu.enqueue_dma source(%dma_start3A_98 : memref<2x16000xi32, #tpu.memory_space<hbm>>) target(%arg11 : memref<2x16000xi32, #tpu.memory_space<vmem>>) target_semaphore(%arg13 : memref<!tpu.dma_semaphore, #tpu.memory_space<semaphore_mem>>)
      } else {
      }
      %add3A_71 = arith.constant 1 : i32
      %add3A_72 = arith.addi %add3A_55, %add3A_71 : i32
      %dma_wait3A_73 = arith.constant 0 : i32
      %dma_wait3A_74 = arith.constant 0 : i32
      %dma_wait3A_75 = tpu.memref_slice %arg3[%add3A_72, %dma_wait3A_73, %dma_wait3A_74] : memref<20x2x16000xi32, #tpu.memory_space<hbm>> -> memref<1x2x16000xi32, #tpu.memory_space<hbm>>
      %dma_wait3A_76 = tpu.memref_squeeze %dma_wait3A_75 : memref<1x2x16000xi32, #tpu.memory_space<hbm>> -> memref<2x16000xi32, #tpu.memory_space<hbm>>
      %dma_wait3A_77 = arith.constant 0 : i32
      %dma_wait3A_78 = arith.constant 0 : i32
      %dma_wait3A_79 = tpu.memref_slice %arg3[%add3A_72, %dma_wait3A_77, %dma_wait3A_78] : memref<20x2x16000xi32, #tpu.memory_space<hbm>> -> memref<1x2x16000xi32, #tpu.memory_space<hbm>>
      %dma_wait3A_80 = tpu.memref_squeeze %dma_wait3A_79 : memref<1x2x16000xi32, #tpu.memory_space<hbm>> -> memref<2x16000xi32, #tpu.memory_space<hbm>>
      tpu.wait_dma2 semaphore(%arg14 : memref<!tpu.dma_semaphore, #tpu.memory_space<semaphore_mem>>) src(%dma_wait3A_80 : memref<2x16000xi32, #tpu.memory_space<hbm>>) dst(%arg12 : memref<2x16000xi32, #tpu.memory_space<vmem>>)
      %parallel_loop3A_81 = arith.constant 0 : i32
      %parallel_loop3A_82 = arith.constant 16000 : i32
      %parallel_loop3A_83 = arith.constant 16 : i32
      scf.for %parallel_loop3A_91 = %parallel_loop3A_81 to %parallel_loop3A_82 step %parallel_loop3A_83  : i32 {
        %parallel_loop3A_92 = arith.constant 0 : i32
        %parallel_loop3A_93 = arith.index_cast %parallel_loop3A_92 : i32 to index
        %parallel_loop3A_94 = arith.index_cast %parallel_loop3A_91 : i32 to index
        %parallel_loop3A_95 = tpu.vector_load %arg12[%parallel_loop3A_93, %parallel_loop3A_94] {strides = array<i32>} : memref<2x16000xi32, #tpu.memory_space<vmem>>, vector<16xi32>,
        %parallel_loop3A_96 = arith.constant 1 : i32
        %parallel_loop3A_97 = arith.index_cast %parallel_loop3A_96 : i32 to index
        %parallel_loop3A_98 = arith.index_cast %parallel_loop3A_91 : i32 to index
        %parallel_loop3A_99 = tpu.vector_load %arg12[%parallel_loop3A_97, %parallel_loop3A_98] {strides = array<i32>} : memref<2x16000xi32, #tpu.memory_space<vmem>>, vector<16xi32>,
        %parallel_loop3A_100 = vector.bitcast %parallel_loop3A_99 : vector<16xi32> to vector<16xf32>
        %parallel_loop3A_101 = arith.constant 14 : i32
        %parallel_loop3A_102 = vector.broadcast %parallel_loop3A_101 : i32 to vector<16xi32>
        %parallel_loop3A_103 = arith.shrsi %parallel_loop3A_95, %parallel_loop3A_102 : vector<16xi32>
        %parallel_loop3A_104 = arith.constant 16383 : i32
        %parallel_loop3A_105 = vector.broadcast %parallel_loop3A_104 : i32 to vector<16xi32>
        %parallel_loop3A_106 = arith.andi %parallel_loop3A_95, %parallel_loop3A_105 : vector<16xi32>
        %parallel_loop3A_107 = tpu.vector_load_idx %arg5[%parallel_loop3A_103] : memref<10000xi32, #tpu.memory_space<vmem>>[vector<16xi32>], vector<16xi32>,
        %parallel_loop3A_108 = arith.constant 16 : i32
        %parallel_loop3A_109 = vector.broadcast %parallel_loop3A_108 : i32 to vector<16xi32>
        %parallel_loop3A_110 = arith.shli %parallel_loop3A_107, %parallel_loop3A_109 : vector<16xi32>
        %parallel_loop3A_111 = vector.bitcast %parallel_loop3A_110 : vector<16xi32> to vector<16xf32>
        %parallel_loop3A_112 = vector.broadcast %scan3A_29 : i32 to vector<16xi32>
        %parallel_loop3A_113 = arith.andi %parallel_loop3A_107, %parallel_loop3A_112 : vector<16xi32>
        %parallel_loop3A_114 = vector.bitcast %parallel_loop3A_113 : vector<16xi32> to vector<16xf32>
        %parallel_loop3A_115 = arith.mulf %parallel_loop3A_111, %parallel_loop3A_100 : vector<16xf32>
        tpu.vector_store_idx %arg7[%parallel_loop3A_106], %parallel_loop3A_115 {add = true} : memref<10000xf32, #tpu.memory_space<vmem>>[vector<16xi32>], vector<16xf32>,
        %parallel_loop3A_116 = arith.mulf %parallel_loop3A_114, %parallel_loop3A_100 : vector<16xf32>
        tpu.vector_store_idx %arg8[%parallel_loop3A_106], %parallel_loop3A_116 {add = true} : memref<10000xf32, #tpu.memory_space<vmem>>[vector<16xi32>], vector<16xf32>,
        %parallel_loop3A_117 = tpu.vector_load_idx %arg6[%parallel_loop3A_103] : memref<10000xi32, #tpu.memory_space<vmem>>[vector<16xi32>], vector<16xi32>,
        %parallel_loop3A_118 = arith.constant 16 : i32
        %parallel_loop3A_119 = vector.broadcast %parallel_loop3A_118 : i32 to vector<16xi32>
        %parallel_loop3A_120 = arith.shli %parallel_loop3A_117, %parallel_loop3A_119 : vector<16xi32>
        %parallel_loop3A_121 = vector.bitcast %parallel_loop3A_120 : vector<16xi32> to vector<16xf32>
        %parallel_loop3A_122 = vector.broadcast %scan3A_29 : i32 to vector<16xi32>
        %parallel_loop3A_123 = arith.andi %parallel_loop3A_117, %parallel_loop3A_122 : vector<16xi32>
        %parallel_loop3A_124 = vector.bitcast %parallel_loop3A_123 : vector<16xi32> to vector<16xf32>
        %parallel_loop3A_125 = arith.mulf %parallel_loop3A_121, %parallel_loop3A_100 : vector<16xf32>
        tpu.vector_store_idx %arg9[%parallel_loop3A_106], %parallel_loop3A_125 {add = true} : memref<10000xf32, #tpu.memory_space<vmem>>[vector<16xi32>], vector<16xf32>,
        %parallel_loop3A_126 = arith.mulf %parallel_loop3A_124, %parallel_loop3A_100 : vector<16xf32>
        tpu.vector_store_idx %arg10[%parallel_loop3A_106], %parallel_loop3A_126 {add = true} : memref<10000xf32, #tpu.memory_space<vmem>>[vector<16xi32>], vector<16xf32>,
      } {sc.loop_unroll_factor = 4 : i64, sc.parallel_access}
      %add3A_84 = arith.constant 2 : i32
      %add3A_85 = arith.addi %add3A_72, %add3A_84 : i32
      %lt3A_86 = arith.constant 20 : i32
      %lt3A_87 = arith.cmpi slt, %add3A_85, %lt3A_86 : i32
      %convert_element_type3A_88 = arith.extui %lt3A_87 : i1 to i32
      %cond3A_89 = arith.constant 0 : i32
      %cond3A_90 = arith.cmpi ne, %convert_element_type3A_88, %cond3A_89 : i32
      scf.if %cond3A_90 {
        %dma_start3A_91 = arith.constant 0 : i32
        %dma_start3A_92 = arith.constant 0 : i32
        %dma_start3A_93 = tpu.memref_slice %arg3[%add3A_85, %dma_start3A_91, %dma_start3A_92] : memref<20x2x16000xi32, #tpu.memory_space<hbm>> -> memref<1x2x16000xi32, #tpu.memory_space<hbm>>
        %dma_start3A_94 = tpu.memref_squeeze %dma_start3A_93 : memref<1x2x16000xi32, #tpu.memory_space<hbm>> -> memref<2x16000xi32, #tpu.memory_space<hbm>>
        %dma_start3A_95 = arith.constant 0 : i32
        %dma_start3A_96 = arith.constant 0 : i32
        %dma_start3A_97 = tpu.memref_slice %arg3[%add3A_85, %dma_start3A_95, %dma_start3A_96] : memref<20x2x16000xi32, #tpu.memory_space<hbm>> -> memref<1x2x16000xi32, #tpu.memory_space<hbm>>
        %dma_start3A_98 = tpu.memref_squeeze %dma_start3A_97 : memref<1x2x16000xi32, #tpu.memory_space<hbm>> -> memref<2x16000xi32, #tpu.memory_space<hbm>>
        tpu.enqueue_dma source(%dma_start3A_98 : memref<2x16000xi32, #tpu.memory_space<hbm>>) target(%arg12 : memref<2x16000xi32, #tpu.memory_space<vmem>>) target_semaphore(%arg14 : memref<!tpu.dma_semaphore, #tpu.memory_space<semaphore_mem>>)
      } else {
      }
    }
    %scan3A_34 = arith.constant 10 : i32
    %mul3A_35 = arith.constant 4 : i32
    %mul3A_36 = arith.muli %add3A, %mul3A_35 : i32
    %add3A_37 = arith.constant 0 : i32
    %add3A_38 = arith.addi %mul3A_36, %add3A_37 : i32
    "tpu.region"() ({
      %run_scoped3A = tpu.sem_alloc : memref<!tpu.dma_semaphore, #tpu.memory_space<semaphore_mem>>
      %dma_start3A_51 = arith.constant 0 : i32
      %dma_start3A_52 = tpu.memref_slice %arg4[%add3A_38, %dma_start3A_51] : memref<128x10000xf32, #tpu.memory_space<hbm>> -> memref<1x10000xf32, #tpu.memory_space<hbm>>
      %dma_start3A_53 = tpu.memref_squeeze %dma_start3A_52 : memref<1x10000xf32, #tpu.memory_space<hbm>> -> memref<10000xf32, #tpu.memory_space<hbm>>
      %dma_start3A_54 = arith.constant 0 : i32
      %dma_start3A_55 = tpu.memref_slice %arg4[%add3A_38, %dma_start3A_54] : memref<128x10000xf32, #tpu.memory_space<hbm>> -> memref<1x10000xf32, #tpu.memory_space<hbm>>
      %dma_start3A_56 = tpu.memref_squeeze %dma_start3A_55 : memref<1x10000xf32, #tpu.memory_space<hbm>> -> memref<10000xf32, #tpu.memory_space<hbm>>
      tpu.enqueue_dma source(%arg7 : memref<10000xf32, #tpu.memory_space<vmem>>) target(%dma_start3A_56 : memref<10000xf32, #tpu.memory_space<hbm>>) target_semaphore(%run_scoped3A : memref<!tpu.dma_semaphore, #tpu.memory_space<semaphore_mem>>)
      %dma_wait3A = arith.constant 0 : i32
      %dma_wait3A_57 = tpu.memref_slice %arg4[%add3A_38, %dma_wait3A] : memref<128x10000xf32, #tpu.memory_space<hbm>> -> memref<1x10000xf32, #tpu.memory_space<hbm>>
      %dma_wait3A_58 = tpu.memref_squeeze %dma_wait3A_57 : memref<1x10000xf32, #tpu.memory_space<hbm>> -> memref<10000xf32, #tpu.memory_space<hbm>>
      %dma_wait3A_59 = arith.constant 0 : i32
      %dma_wait3A_60 = tpu.memref_slice %arg4[%add3A_38, %dma_wait3A_59] : memref<128x10000xf32, #tpu.memory_space<hbm>> -> memref<1x10000xf32, #tpu.memory_space<hbm>>
      %dma_wait3A_61 = tpu.memref_squeeze %dma_wait3A_60 : memref<1x10000xf32, #tpu.memory_space<hbm>> -> memref<10000xf32, #tpu.memory_space<hbm>>
      tpu.wait_dma2 semaphore(%run_scoped3A : memref<!tpu.dma_semaphore, #tpu.memory_space<semaphore_mem>>) src(%arg7 : memref<10000xf32, #tpu.memory_space<vmem>>) dst(%dma_wait3A_61 : memref<10000xf32, #tpu.memory_space<hbm>>)
      tpu.yield
    }) : () -> ()
    %mul3A_39 = arith.constant 4 : i32
    %mul3A_40 = arith.muli %add3A, %mul3A_39 : i32
    %add3A_41 = arith.constant 1 : i32
    %add3A_42 = arith.addi %mul3A_40, %add3A_41 : i32
    "tpu.region"() ({
      %run_scoped3A = tpu.sem_alloc : memref<!tpu.dma_semaphore, #tpu.memory_space<semaphore_mem>>
      %dma_start3A_51 = arith.constant 0 : i32
      %dma_start3A_52 = tpu.memref_slice %arg4[%add3A_42, %dma_start3A_51] : memref<128x10000xf32, #tpu.memory_space<hbm>> -> memref<1x10000xf32, #tpu.memory_space<hbm>>
      %dma_start3A_53 = tpu.memref_squeeze %dma_start3A_52 : memref<1x10000xf32, #tpu.memory_space<hbm>> -> memref<10000xf32, #tpu.memory_space<hbm>>
      %dma_start3A_54 = arith.constant 0 : i32
      %dma_start3A_55 = tpu.memref_slice %arg4[%add3A_42, %dma_start3A_54] : memref<128x10000xf32, #tpu.memory_space<hbm>> -> memref<1x10000xf32, #tpu.memory_space<hbm>>
      %dma_start3A_56 = tpu.memref_squeeze %dma_start3A_55 : memref<1x10000xf32, #tpu.memory_space<hbm>> -> memref<10000xf32, #tpu.memory_space<hbm>>
      tpu.enqueue_dma source(%arg8 : memref<10000xf32, #tpu.memory_space<vmem>>) target(%dma_start3A_56 : memref<10000xf32, #tpu.memory_space<hbm>>) target_semaphore(%run_scoped3A : memref<!tpu.dma_semaphore, #tpu.memory_space<semaphore_mem>>)
      %dma_wait3A = arith.constant 0 : i32
      %dma_wait3A_57 = tpu.memref_slice %arg4[%add3A_42, %dma_wait3A] : memref<128x10000xf32, #tpu.memory_space<hbm>> -> memref<1x10000xf32, #tpu.memory_space<hbm>>
      %dma_wait3A_58 = tpu.memref_squeeze %dma_wait3A_57 : memref<1x10000xf32, #tpu.memory_space<hbm>> -> memref<10000xf32, #tpu.memory_space<hbm>>
      %dma_wait3A_59 = arith.constant 0 : i32
      %dma_wait3A_60 = tpu.memref_slice %arg4[%add3A_42, %dma_wait3A_59] : memref<128x10000xf32, #tpu.memory_space<hbm>> -> memref<1x10000xf32, #tpu.memory_space<hbm>>
      %dma_wait3A_61 = tpu.memref_squeeze %dma_wait3A_60 : memref<1x10000xf32, #tpu.memory_space<hbm>> -> memref<10000xf32, #tpu.memory_space<hbm>>
      tpu.wait_dma2 semaphore(%run_scoped3A : memref<!tpu.dma_semaphore, #tpu.memory_space<semaphore_mem>>) src(%arg8 : memref<10000xf32, #tpu.memory_space<vmem>>) dst(%dma_wait3A_61 : memref<10000xf32, #tpu.memory_space<hbm>>)
      tpu.yield
    }) : () -> ()
    %mul3A_43 = arith.constant 4 : i32
    %mul3A_44 = arith.muli %add3A, %mul3A_43 : i32
    %add3A_45 = arith.constant 2 : i32
    %add3A_46 = arith.addi %mul3A_44, %add3A_45 : i32
    "tpu.region"() ({
      %run_scoped3A = tpu.sem_alloc : memref<!tpu.dma_semaphore, #tpu.memory_space<semaphore_mem>>
      %dma_start3A_51 = arith.constant 0 : i32
      %dma_start3A_52 = tpu.memref_slice %arg4[%add3A_46, %dma_start3A_51] : memref<128x10000xf32, #tpu.memory_space<hbm>> -> memref<1x10000xf32, #tpu.memory_space<hbm>>
      %dma_start3A_53 = tpu.memref_squeeze %dma_start3A_52 : memref<1x10000xf32, #tpu.memory_space<hbm>> -> memref<10000xf32, #tpu.memory_space<hbm>>
      %dma_start3A_54 = arith.constant 0 : i32
      %dma_start3A_55 = tpu.memref_slice %arg4[%add3A_46, %dma_start3A_54] : memref<128x10000xf32, #tpu.memory_space<hbm>> -> memref<1x10000xf32, #tpu.memory_space<hbm>>
      %dma_start3A_56 = tpu.memref_squeeze %dma_start3A_55 : memref<1x10000xf32, #tpu.memory_space<hbm>> -> memref<10000xf32, #tpu.memory_space<hbm>>
      tpu.enqueue_dma source(%arg9 : memref<10000xf32, #tpu.memory_space<vmem>>) target(%dma_start3A_56 : memref<10000xf32, #tpu.memory_space<hbm>>) target_semaphore(%run_scoped3A : memref<!tpu.dma_semaphore, #tpu.memory_space<semaphore_mem>>)
      %dma_wait3A = arith.constant 0 : i32
      %dma_wait3A_57 = tpu.memref_slice %arg4[%add3A_46, %dma_wait3A] : memref<128x10000xf32, #tpu.memory_space<hbm>> -> memref<1x10000xf32, #tpu.memory_space<hbm>>
      %dma_wait3A_58 = tpu.memref_squeeze %dma_wait3A_57 : memref<1x10000xf32, #tpu.memory_space<hbm>> -> memref<10000xf32, #tpu.memory_space<hbm>>
      %dma_wait3A_59 = arith.constant 0 : i32
      %dma_wait3A_60 = tpu.memref_slice %arg4[%add3A_46, %dma_wait3A_59] : memref<128x10000xf32, #tpu.memory_space<hbm>> -> memref<1x10000xf32, #tpu.memory_space<hbm>>
      %dma_wait3A_61 = tpu.memref_squeeze %dma_wait3A_60 : memref<1x10000xf32, #tpu.memory_space<hbm>> -> memref<10000xf32, #tpu.memory_space<hbm>>
      tpu.wait_dma2 semaphore(%run_scoped3A : memref<!tpu.dma_semaphore, #tpu.memory_space<semaphore_mem>>) src(%arg9 : memref<10000xf32, #tpu.memory_space<vmem>>) dst(%dma_wait3A_61 : memref<10000xf32, #tpu.memory_space<hbm>>)
      tpu.yield
    }) : () -> ()
    %mul3A_47 = arith.constant 4 : i32
    %mul3A_48 = arith.muli %add3A, %mul3A_47 : i32
    %add3A_49 = arith.constant 3 : i32
    %add3A_50 = arith.addi %mul3A_48, %add3A_49 : i32
    "tpu.region"() ({
      %run_scoped3A = tpu.sem_alloc : memref<!tpu.dma_semaphore, #tpu.memory_space<semaphore_mem>>
      %dma_start3A_51 = arith.constant 0 : i32
      %dma_start3A_52 = tpu.memref_slice %arg4[%add3A_50, %dma_start3A_51] : memref<128x10000xf32, #tpu.memory_space<hbm>> -> memref<1x10000xf32, #tpu.memory_space<hbm>>
      %dma_start3A_53 = tpu.memref_squeeze %dma_start3A_52 : memref<1x10000xf32, #tpu.memory_space<hbm>> -> memref<10000xf32, #tpu.memory_space<hbm>>
      %dma_start3A_54 = arith.constant 0 : i32
      %dma_start3A_55 = tpu.memref_slice %arg4[%add3A_50, %dma_start3A_54] : memref<128x10000xf32, #tpu.memory_space<hbm>> -> memref<1x10000xf32, #tpu.memory_space<hbm>>
      %dma_start3A_56 = tpu.memref_squeeze %dma_start3A_55 : memref<1x10000xf32, #tpu.memory_space<hbm>> -> memref<10000xf32, #tpu.memory_space<hbm>>
      tpu.enqueue_dma source(%arg10 : memref<10000xf32, #tpu.memory_space<vmem>>) target(%dma_start3A_56 : memref<10000xf32, #tpu.memory_space<hbm>>) target_semaphore(%run_scoped3A : memref<!tpu.dma_semaphore, #tpu.memory_space<semaphore_mem>>)
      %dma_wait3A = arith.constant 0 : i32
      %dma_wait3A_57 = tpu.memref_slice %arg4[%add3A_50, %dma_wait3A] : memref<128x10000xf32, #tpu.memory_space<hbm>> -> memref<1x10000xf32, #tpu.memory_space<hbm>>
      %dma_wait3A_58 = tpu.memref_squeeze %dma_wait3A_57 : memref<1x10000xf32, #tpu.memory_space<hbm>> -> memref<10000xf32, #tpu.memory_space<hbm>>
      %dma_wait3A_59 = arith.constant 0 : i32
      %dma_wait3A_60 = tpu.memref_slice %arg4[%add3A_50, %dma_wait3A_59] : memref<128x10000xf32, #tpu.memory_space<hbm>> -> memref<1x10000xf32, #tpu.memory_space<hbm>>
      %dma_wait3A_61 = tpu.memref_squeeze %dma_wait3A_60 : memref<1x10000xf32, #tpu.memory_space<hbm>> -> memref<10000xf32, #tpu.memory_space<hbm>>
      tpu.wait_dma2 semaphore(%run_scoped3A : memref<!tpu.dma_semaphore, #tpu.memory_space<semaphore_mem>>) src(%arg10 : memref<10000xf32, #tpu.memory_space<vmem>>) dst(%dma_wait3A_61 : memref<10000xf32, #tpu.memory_space<hbm>>)
      tpu.yield
    }) : () -> ()
    return
  }
}

module attributes {stable_mosaic.version = 14 : i64} {
  func.func @body(%arg0: memref<128x10000xf32, #tpu.memory_space<vmem>>, %arg1: memref<128x128xf32, #tpu.memory_space<vmem>>, %arg2: memref<1x128xf32, #tpu.memory_space<vmem>>, %arg3: memref<10000x128xf32, #tpu.memory_space<vmem>>) attributes {dimension_semantics = [], scalar_prefetch = 0 : i64, scratch_operands = 0 : i64, tpu.core_type = #tpu.core_type<tc>} {
    %get3A = arith.constant 0 : index
    %get3A_0 = arith.constant 0 : index
    %get3A_1 = vector.load %arg0[%get3A, %get3A_0] : memref<128x10000xf32, #tpu.memory_space<vmem>>, vector<128x10000xf32>
    %convert_element_type3A = arith.truncf %get3A_1 : vector<128x10000xf32> to vector<128x10000xbf16>
    %get3A_2 = arith.constant 0 : index
    %get3A_3 = arith.constant 0 : index
    %get3A_4 = vector.load %arg1[%get3A_2, %get3A_3] : memref<128x128xf32, #tpu.memory_space<vmem>>, vector<128x128xf32>
    %convert_element_type3A_5 = arith.truncf %get3A_4 : vector<128x128xf32> to vector<128x128xbf16>
    %dot_general3A = arith.constant dense<0.000000e+00> : vector<10000x128xf32>
    %dot_general3A_6 = tpu.matmul %convert_element_type3A, %convert_element_type3A_5, %dot_general3A {dimension_numbers = #tpu.dot_dimension_numbers<[0], [0], [1], [1], [0, 1, 1, 1], [], []>, transpose_lhs_hint = false} : vector<128x10000xbf16>, vector<128x128xbf16>, vector<10000x128xf32> -> vector<10000x128xf32>
    %get3A_7 = arith.constant 0 : index
    %get3A_8 = arith.constant 0 : index
    %get3A_9 = vector.load %arg2[%get3A_7, %get3A_8] : memref<1x128xf32, #tpu.memory_space<vmem>>, vector<1x128xf32>
    %add3A = vector.broadcast %get3A_9 : vector<1x128xf32> to vector<10000x128xf32>
    %add3A_10 = arith.addf %dot_general3A_6, %add3A : vector<10000x128xf32>
    %swap3A = arith.constant 0 : index
    %swap3A_11 = arith.constant 0 : index
    %swap3A_12 = vector.load %arg3[%swap3A, %swap3A_11] : memref<10000x128xf32, #tpu.memory_space<vmem>>, vector<10000x128xf32>
    tpu.vector_store %arg3[%swap3A, %swap3A_11], %add3A_10 {strides = array<i32>} : memref<10000x128xf32, #tpu.memory_space<vmem>>, vector<10000x128xf32>,
    return
  }
}

</mosaic_0001>

<sc_bundles>
// kernel: kernel.5.cloned.1.call-start
scs
__scs_entry_jumppad:
0x0: {  	(pc) =	sbr.rel $0x88, $3  }
0x1: {  	(tag) =	ssettag $0x0;
	lr =	simm.s32 $0x1  }
0x2: {  	[smem:$0x3F9C] =	sst lr;
	_ =	strace $0xD0000000  }
0x3: {  	_ = 	snop  }
0x4: {  	_ = 	snop  }
0x5: {  	_ = 	snop  }
0x6: {  	_ = 	snop  }
0x7: {  	_ = 	snop  }
__scs_overlays_trampoline_lowered:
0x8: {  	[smem:$0x3FAB] =	sst s0  }
0x9: {  	[smem:$0x3FAC] =	sst s1  }
0xa: {  	[smem:$0x3FAD] =	sst s2  }
0xb: {  	[smem:$0x3FAE] =	sst s3  }
0xc: {  	[smem:$0x3FAF] =	sst s4  }
0xd: {  	[smem:$0x3FB0] =	sst s5  }
0xe: {  	[smem:$0x3FB1] =	sst s6  }
0xf: {  	[smem:$0x3FB2] =	sst s7  }
0x10: {  	[smem:$0x3FB3] =	sst s8  }
0x11: {  	[smem:$0x3FB4] =	sst s9;
	s0 =	simm.s32 @!p0 $0x0  }
0x12: {  	s1 =	sld [smem:$0x3F9A];
	s0 =	simm.s32 @p0 $0x1  }
0x13: {  	[smem:$0x3FB5] =	sst s0;
	s0 =	simm.s32 @!p1 $0x0  }
0x14: {  	s2 =	sld [smem:$0x3F99];
	s0 =	simm.s32 @p1 $0x1  }
0x15: {  	[smem:$0x3FB6] =	sst s0;
	s0 =	simm.s32 @!p2 $0x0  }
0x16: {  	s3 =	sld [smem:$0x3FDB];
	s0 =	simm.s32 @p2 $0x1  }
0x17: {  	s4 =	simm.s32 $0x1BF5;
	[smem:$0x3FB8] =	sst s0  }
0x18: {  	s0 =	sld [smem:$0x3F9B];
	_ =	swait.ge [sflag:s4], $0x0  }
0x19: {  	s7 =	sld [smem:$0x3F9C]  }
0x1a: {  	s8 =	sadd.s32 $0xFFFFE003, lr  }
0x1b: {  	s9 =	sadd.s32 $0xFFFFFEF7, lr;
	s5 =	simm.s32 $0xFFFFFFFF;
	p2 =	slt.u32 s8, $0xFFFFF086  }
0x1c: {  	p1 =	slt.u32 s9, $0xF7A;
	s5 =	simm.s32 @!p2 $0x0  }
0x1d: {  	s5 =	simm.s32 @p1 $0x1;
	p0 =	seq.s32 s7, s2  }
0x1e: {  	s7 =	smul.u32 @!p0 $0xF7A, s2;
	p2 =	seq.s32 @!p0 s5, $0x0  }
0x1f: {  	s9 =	smul.u32 $0xF7A, s1;
	s8 =	simm.s32 @!p0 $0x1BF5;
	p2 =	por !p2, p0  }
0x20: {  	[sflag:s8] =	ssyncset.s32 @!p0 $0xFFFFF086;
	s6 =	sadd.s32 @!p0 s3, s7;
	s7 =	simm.s32 @!p0 $0x108  }
0x21: {  	s3 =	sadd.s32 s3, s9;
	s6 =	sadd.s32 @!p0 $0x88, s6;
	s7 =	simm.s32 @p2 $0x1082  }
0x22: {  	[simem:s7], [sflag:s8] =	dma.local @!p0 [hbm:s6], $0xF7A  }
0x23: {  	s9 =	sor.u32 $0xD0000000, s2;
	s6 =	simm.s32 $0x108;
	_ =	swait.ge @!p0 [sflag:s8], $0x0  }
0x24: {  	s3 =	sadd.s32 $0x88, s3;
	s6 =	simm.s32 @!p1 $0x1082;
	[sflag:s4] =	ssyncset.s32 $0xFFFFF086  }
0x25: {  	[simem:s6], [sflag:s4] =	dma.local [hbm:s3], $0xF7A  }
0x26: {  	[smem:$0x3F9C] =	sst s1;
	(tag) =	ssettag s2;
	_ =	strace s9  }
0x27: {  	s1 =	sld [smem:$0x3FAC]  }
0x28: {  	s2 =	sld [smem:$0x3FAD]  }
0x29: {  	s4 =	sld [smem:$0x3FAF]  }
0x2a: {  	p0 =	seq.s32 s5, $0x0;
	s5 =	sld [smem:$0x3FB0]  }
0x2b: {  	s6 =	sld [smem:$0x3FB1]  }
0x2c: {  	s7 =	sld [smem:$0x3FB2]  }
0x2d: {  	s3 =	simm.s32 $0x108;
	s8 =	sld [smem:$0x3FB3]  }
0x2e: {  	s3 =	simm.s32 @!p0 $0x1082;
	s9 =	sld [smem:$0x3FB4]  }
0x2f: {  	lr =	sadd.s32 s0, s3;
	s0 =	sld [smem:$0x3FAB]  }
0x30: {  	s3 =	sld [smem:$0x3FAE]  }
0x31: {  	[smem:$0x3FB7] =	sst s10  }
0x32: {  	s10 =	sld [smem:$0x3FB5];
	_ =	sdelay $0x3  }
0x33: {  	p0 =	seq.s32 s10, $0x1;
	s10 =	sld [smem:$0x3FB7];
	_ =	sdelay $0x3  }
0x34: {  	[smem:$0x3FB7] =	sst s10  }
0x35: {  	s10 =	sld [smem:$0x3FB6];
	_ =	sdelay $0x3  }
0x36: {  	p1 =	seq.s32 s10, $0x1;
	s10 =	sld [smem:$0x3FB7];
	_ =	sdelay $0x3  }
0x37: {  	[smem:$0x3FB7] =	sst s10  }
0x38: {  	s10 =	sld [smem:$0x3FB8]  }
0x39: {  	_ = 	snop;
	(pc) =	sbr.ind lr, $3  }
0x3a: {  	_ = 	snop  }
0x3b: {  	_ = 	snop  }
0x3c: {  	p2 =	seq.s32 s10, $0x1;
	s10 =	sld [smem:$0x3FB7]  }
0x3d: {  	_ =	shalt  }
0x3e: {  	_ =	shalt  }
0x3f: {  	_ =	shalt  }
0x40: {  	_ =	shalt  }
0x41: {  	_ =	shalt  }
0x42: {  	_ =	shalt  }
0x43: {  	_ =	shalt  }
0x44: {  	_ =	shalt  }
0x45: {  	_ =	shalt  }
0x46: {  	_ =	shalt  }
0x47: {  	_ =	shalt  }
0x48: {  	_ =	shalt  }
0x49: {  	_ =	shalt  }
0x4a: {  	_ =	shalt  }
0x4b: {  	_ =	shalt  }
0x4c: {  	_ =	shalt  }
0x4d: {  	_ =	shalt  }
0x4e: {  	_ =	shalt  }
0x4f: {  	_ =	shalt  }
0x50: {  	_ =	shalt  }
0x51: {  	_ =	shalt  }
0x52: {  	_ =	shalt  }
0x53: {  	_ =	shalt  }
0x54: {  	_ =	shalt  }
0x55: {  	_ =	shalt  }
0x56: {  	_ =	shalt  }
0x57: {  	_ =	shalt  }
0x58: {  	_ =	shalt  }
0x59: {  	_ =	shalt  }
0x5a: {  	_ =	shalt  }
0x5b: {  	_ =	shalt  }
0x5c: {  	_ =	shalt  }
0x5d: {  	_ =	shalt  }
0x5e: {  	_ =	shalt  }
0x5f: {  	_ =	shalt  }
0x60: {  	_ =	shalt  }
0x61: {  	_ =	shalt  }
0x62: {  	_ =	shalt  }
0x63: {  	_ =	shalt  }
0x64: {  	_ =	shalt  }
0x65: {  	_ =	shalt  }
0x66: {  	_ =	shalt  }
0x67: {  	_ =	shalt  }
0x68: {  	_ =	shalt  }
0x69: {  	_ =	shalt  }
0x6a: {  	_ =	shalt  }
0x6b: {  	_ =	shalt  }
0x6c: {  	_ =	shalt  }
0x6d: {  	_ =	shalt  }
0x6e: {  	_ =	shalt  }
0x6f: {  	_ =	shalt  }
0x70: {  	_ =	shalt  }
0x71: {  	_ =	shalt  }
0x72: {  	_ =	shalt  }
0x73: {  	_ =	shalt  }
0x74: {  	_ =	shalt  }
0x75: {  	_ =	shalt  }
0x76: {  	_ =	shalt  }
0x77: {  	_ =	shalt  }
0x78: {  	_ =	shalt  }
0x79: {  	_ =	shalt  }
0x7a: {  	_ =	shalt  }
0x7b: {  	_ =	shalt  }
0x7c: {  	_ =	shalt  }
0x7d: {  	_ =	shalt  }
0x7e: {  	_ =	shalt  }
0x7f: {  	_ =	shalt  }
0x80: {  	_ =	shalt  }
0x81: {  	_ =	shalt  }
0x82: {  	_ =	shalt  }
0x83: {  	_ =	shalt  }
0x84: {  	_ =	shalt  }
0x85: {  	_ =	shalt  }
0x86: {  	_ =	shalt  }
0x87: {  	_ =	shalt  }
.Lfunc_end0:
.L_simem_size_0:
called_computation_lowered:
.L_overlay_start_0:
0x88: {  	s2 =	sld [smem:$0x3FD9]  }
0x89: {  	s3 =	sld [smem:$0x3FFE];
	_ =	sdelay $0x1  }
0x8a: {  	s1 =	srdreg.scid  }
0x8b: {  	s0 =	sand.u32 $0x1, s1  }
0x8c: {  	s17 =	sshll.u32 s0, $0xA;
	s2 =	sadd.s32 s3, s2  }
0x8d: {  	s2 =	sadd.s32 s2, s17  }
0x8e: {  	[smem:$0x3FC3] =	sst s2  }
0x8f: {  	_ = 	snop  }
0x90: {  	s2 =	sld [smem:$0x3FD0];
	(tm) =	ssettm $0x1  }
0x91: {  	s18 =	sld [smem:$0x3FFB];
	_ =	sdelay $0x3  }
0x92: {  	_ =	strace s18  }
0x93: {  	s3 =	sld [smem:$0x3FFC];
	_ =	sdelay $0x3  }
0x94: {  	_ =	strace s3  }
0x95: {  	s3 =	sld [smem:$0x3FFD];
	_ =	sdelay $0x3  }
0x96: {  	_ =	strace s3  }
0x97: {  	_ =	strace $0x8FFFFFFF  }
0x98: {  	s19 =	sld [smem:$0x3FDB];
	_ =	sdelay $0x1  }
0x99: {  	s4 =	simm.s32 $_scs_section_size  }
0x9a: {  	s5 =	simm.s32 $_size__tile_overlayer_lowered;
	s6 =	simm.s32 $_tile_overlayer_lowered  }
0x9b: {  	s22 =	simm.s32 $0x1BFF;
	s21 =	sshll.u32 s6, $0x1;
	s3 =	sadd.s32 s4, s19  }
0x9c: {  	s7 =	simm.s32 $0x0;
	s20 =	sshll.u32 s5, $0x1;
	s5 =	sadd.s32 s21, s3  }
0x9d: {  	[timem:s7], [sflag:s22] =	dma.local [hbm:s5], s20  }
0x9e: {  	_ =	swait.ge [sflag:s22], s20  }
0x9f: {  	s4 =	ssub.s32 $0x0, s20;
	[sflag:s22] =	ssyncset.done $0x0  }
0xa0: {  	[sflag:s22] =	ssyncadd.s32 s4;
	_ =	sdelay $0x1  }
0xa1: {  	s23 =	simm.s32 $0x1B8B  }
0xa2: {  	_ =	swait.ge [sflag:s23], $0x1  }
0xa3: {  	[sflag:s23] =	ssyncset.done $0x0  }
0xa4: {  	s25 =	simm.s32 $0x1B8E;
	s24 =	sld [smem:$0x3FFE];
	[sflag:s23] =	ssyncadd.s32 $0xFFFFFFFF  }
0xa5: {  	s26 =	simm.s32 $execute0_lowered;
	[smem:$0x3FD2] =	sst s25  }
0xa6: {  	s5 =	sshll.u32 s26, $0x1;
	_ =	strace $0x80000046;
	[dreg:$0x1] =	wrdreg $0xFFFFFFFF  }
0xa7: {  	s28 =	simm.s32 $_size_execute0_lowered;
	s3 =	sadd.s32 s3, s5;
	[dreg:$0x0] =	wrdreg $0x0  }
0xa8: {  	s5 =	sshll.u32 s28, $0x1;
	[dreg:$0x2] =	wrdreg s3  }
0xa9: {  	[dreg:$0x3] =	wrdreg s5  }
0xaa: {  	[dreg:$0x4] =	wrdreg $0xC0  }
0xab: {  	_ =	task [dreg:s7], $0x5FFFF  }
0xac: {  	[dreg:$0x1] =	wrdreg $0xFFFFFFFF  }
0xad: {  	[dreg:$0x0] =	wrdreg $0x60  }
0xae: {  	[dreg:$0x2] =	wrdreg s2  }
0xaf: {  	[dreg:$0x3] =	wrdreg s24  }
0xb0: {  	[dreg:$0x4] =	wrdreg $0x9  }
0xb1: {  	_ =	task.clear_ibuf [dreg:s7], $0x5FFFF;
	_ =	strace $0x90000046  }
0xb2: {  	s29 =	simm.s32 $0x9;
	_ =	strace $0x80000048  }
0xb3: {  	_ =	swait.ge [sflag:s29], $0x1  }
0xb4: {  	[sflag:s29] =	ssyncadd.s32 $0xFFFFFFFF  }
0xb5: {  	_ =	strace $0x90000048  }
0xb6: {  	_ =	sfence  }
0xb7: {  	s30 =	sld [smem:$0x0];
	_ =	sdelay $0x2  }
0xb8: {  	s31 =	sshll.u32 s1, $0xD;
	s1 =	sshrl.u32 s1, $0x2  }
0xb9: {  	s3 =	sand.u32 $0x4000, s31;
	s1 =	sadd.s32 s1, s30  }
0xba: {  	s0 =	sor.u32 s3, s0;
	s1 =	sshll.u32 s1, $0x11  }
0xbb: {  	s0 =	sor.u32 s1, s0  }
0xbc: {  	s0 =	sadd.s32 $0x8F2B, s0  }
0xbd: {  	[sflag:s0] =	ssyncadd.remote.s32 $0x1  }
0xbe: {  	_ =	sfence.sel $0xFFFF  }
0xbf: {  	[dreg:$0x0] =	wrdreg $0xFFFFFFFF;
	(pc) =	sbr.abs _section_cstart, $3  }
0xc0: {  	[dreg:$0x1] =	wrdreg $0xFFFFFFFF  }
0xc1: {  	_ =	task.clear_ibuf [dreg:s7], $0x2FFFF;
	_ =	strace $0x9FFFFFFF  }
0xc2: {  	(tm) =	ssettm $0x7FFFFFFF  }
0xc3: {  	_ =	shalt  }
tec
execute0_lowered:
.L_overlay_start_1:
0x0: {  	(tag) =	ssettag $0x1  }
0x1: {  	s0 =	srdreg.scid;
	s5 =	rddreg [dreg:$0x0]  }
0x2: {  	s24 =	stileid.u32;
	s6 =	rddreg [dreg:$0x1]  }
0x3: {  	s2 =	simm.s32 $0x0;
	s12 =	simm.s32 $0x80;
	s13 =	simm.s32 $0x400  }
0x4: {  	s14 =	simm.s32 $0x3;
	s15 =	simm.s32 $0x2780;
	s16 =	simm.s32 $0xED00  }
0x5: {  	s17 =	simm.s32 $0x16A00;
	s18 =	simm.s32 $0x1;
	s19 =	simm.s32 $0x4F00  }
0x6: {  	s20 =	simm.s32 $0x7680;
	s21 =	simm.s32 $0x9E00;
	s4 =	sand.u32 $0x1, s0  }
0x7: {  	s22 =	simm.s32 $0xC580;
	s23 =	simm.s32 $0x2;
	s1 =	sshll.u32 s4, $0x4  }
0x8: {  	[smem:$0x7FF] =	sst s2;
	s8 =	sshll.u32 s24, $0x9;
	s3 =	sor.u32 s24, s1  }
0x9: {  	s25 =	sshll.u32 s24, $0x8;
	_ =	strace $0x80000047;
	s7 =	sshrl.u32 s3, $0x1  }
0xa: {  	s28 =	ssub.s32 $0x2, s4;
	s3 =	sshrl.u32 s3, $0x2;
	s7 =	smul.u32 $0x13C00, s7  }
0xb: {  	s8 =	sand.u32 $0x200, s8;
	s31 =	sshrl.u32 s28, $0x1;
	s9 =	smul.u32 $0x13C00, s3  }
0xc: {  	s10 =	sand.u32 $0x300, s25;
	s24 =	simm.s32 $0x0;
	s11 =	ssub.s32 s28, s31  }
.Ltmp0:
0xd: {  	s7 =	sor.u32 s8, s7;
	s26 =	sor.u32 s10, s9;
	(pc) =	sbr.rel .LBB2_1-.Ltmp0, $4  }
0xe: {  	s3 =	sadd.s32 $0xE00, s6;
	s7 =	sshrl.u32 s7, $0x3;
	s29 =	sshrl.u32 s26, $0x3  }
0xf: {  	s11 =	smax.u32 s11, $0x1;
	s30 =	sadd.s32 s7, s6;
	s4 =	sadd.s32 s5, s29  }
0x10: {  	s6 =	sadd.s32 $0x1DA0, s6;
	s5 =	sadd.s32 $0x10, s4;
	s7 =	sadd.s32 $0x14800, s30  }
0x11: {  	v0 =	vimm.f32 $0.0e+00;
	s8 =	sadd.s32 $0x14810, s30;
	s9 =	sadd.s32 $0x14820, s30;
	s10 =	sadd.s32 $0x14830, s30  }
.LBB2_10:
0x12: {  	[hbm4b:s7+s12] =	stream.strided.scatter [tilespmem:s19], [sflag:$0x3], $0x2780, s13, s12, $0x38;
	[tilespmem:$0x1E700] =	vst v63  }
0x13: {  	_ =	swait.ge [sflag:s14], $0x2780  }
0x14: {  	[sflag:s14] =	ssyncset.done $0x0  }
0x15: {  	[sflag:s14] =	ssyncadd.s32 $0xFFFFD880  }
0x16: {  	[hbm4b:s8+s12] =	stream.strided.scatter [tilespmem:s20], [sflag:$0x3], $0x2780, s13, s12, $0x38;
	[tilespmem:$0x1E700] =	vst v63  }
0x17: {  	_ =	swait.ge [sflag:s14], $0x2780  }
0x18: {  	[sflag:s14] =	ssyncset.done $0x0  }
0x19: {  	[sflag:s14] =	ssyncadd.s32 $0xFFFFD880  }
0x1a: {  	[hbm4b:s9+s12] =	stream.strided.scatter [tilespmem:s21], [sflag:$0x3], $0x2780, s13, s12, $0x38;
	[tilespmem:$0x1E700] =	vst v63  }
0x1b: {  	s24 =	sadd.s32 $0x1, s24;
	_ =	swait.ge [sflag:s14], $0x2780  }
0x1c: {  	p0 =	sne.s32 s24, s11;
	[sflag:s14] =	ssyncset.done $0x0  }
.Ltmp1:
0x1d: {  	[sflag:s14] =	ssyncadd.s32 $0xFFFFD880;
	(pc) =	sbr.rel @!p0 .LBB2_11-.Ltmp1, $4  }
0x1e: {  	[hbm4b:s10+s12] =	stream.strided.scatter [tilespmem:s22], [sflag:$0x3], $0x2780, s13, s12, $0x38;
	[tilespmem:$0x1E700] =	vst v63  }
0x1f: {  	_ =	swait.ge [sflag:s14], $0x2780  }
0x20: {  	[sflag:s14] =	ssyncset.done $0x0  }
0x21: {  	[sflag:s14] =	ssyncadd.s32 $0xFFFFD880  }
.LBB2_1:
0x22: {  	[tilespmem:s2], [sflag:$0x3] =	stream.strided.gather [hbm4b:s4+s12], $0x2780, s13, s12, $0x38;
	[tilespmem:$0x1E700] =	vst v63  }
0x23: {  	_ =	swait.ge [sflag:s14], $0x2780  }
0x24: {  	[sflag:s14] =	ssyncset.done $0x0  }
0x25: {  	[sflag:s14] =	ssyncadd.s32 $0xFFFFD880  }
0x26: {  	[tilespmem:s15], [sflag:$0x3] =	stream.strided.gather [hbm4b:s5+s12], $0x2780, s13, s12, $0x38;
	[tilespmem:$0x1E700] =	vst v63  }
0x27: {  	_ =	swait.ge [sflag:s14], $0x2780  }
0x28: {  	[sflag:s14] =	ssyncset.done $0x0  }
0x29: {  	s26 =	simm.s32 $0x40;
	s25 =	simm.s32 $0x0;
	[sflag:s14] =	ssyncadd.s32 $0xFFFFD880  }
.LBB2_2:
0x2a: {  	p0 =	sne.s32 s26, $0x9C00;
	[tilespmem:s25+$0xC580] =	vst v0;
	s28 =	smov.u32 s26;
	s26 =	sadd.s32 $0x40, s26  }
.Ltmp2:
0x2b: {  	[tilespmem:s25+$0x9E00] =	vst v0;
	(pc) =	sbr.rel @p0 .LBB2_2-.Ltmp2, $3  }
0x2c: {  	[tilespmem:s25+$0x4F00] =	vst v0  }
0x2d: {  	[tilespmem:s25+$0x7680] =	vst v0;
	_ =	sdelay $0x1  }
0x2e: {  	s25 =	sshra.s32 s28, $0x2  }
0x2f: {  	[tilespmem:s25+$0xC580] =	vst v0  }
0x30: {  	[tilespmem:s25+$0x9E00] =	vst v0  }
0x31: {  	[tilespmem:s25+$0x4F00] =	vst v0  }
0x32: {  	[tilespmem:s25+$0x7680] =	vst v0;
	s25 =	simm.s32 $0x0  }
0x33: {  	[tilespmem:s16], [sflag:$0x1] =	stream.linear.gather [hbm4b:s3+s25], $0x7D00, $0x38;
	[tilespmem:$0x1E700] =	vst v63  }
0x34: {  	s26 =	simm.s32 $0x0  }
0x35: {  	[tilespmem:s17], [sflag:$0x2] =	stream.linear.gather [hbm4b:s6+s25], $0x7D00, $0x38;
	[tilespmem:$0x1E700] =	vst v63  }
.LBB2_4:
0x36: {  	_ =	swait.ge [sflag:s18], $0x7D00;
	s28 =	simm.s32 $0x0  }
0x37: {  	s29 =	sand.u32 $0x7F00, s25;
	[sflag:s18] =	ssyncset.done $0x0;
	s28 =	sand.u32 $0x40, s28  }
0x38: {  	[sflag:s18] =	ssyncadd.s32 $0xFFFF8300;
	s28 =	sor.u32 s28, s29  }
0x39: {  	v1 =	vld [tilespmem:s28+$0xED30]  }
0x3a: {  	v3 =	vld [tilespmem:s28+$0xED10]  }
0x3b: {  	v2 =	vld [tilespmem:s28+$0xED00]  }
0x3c: {  	p0 =	por $0x0, $0x0;
	v4 =	vld [tilespmem:s28+$0xED20];
	s28 =	simm.s32 $0x1  }
0x3d: {  	s28 =	simm.s32 @!p0 $0x0  }
0x3e: {  	s28 =	sshll.u32 s28, $0x6;
	v5 =	vshra.s32 v1, $0xE  }
0x3f: {  	s28 =	sadd.s32 $0x0, s28;
	v7 =	vshra.s32 v3, $0xE  }
0x40: {  	s29 =	sadd.s32 $0x30, s28  }
0x41: {  	s29 =	sor.u32 $0x80, s29  }
0x42: {  	v10 =	vld [tilespmem:s29+$0xED00]  }
0x43: {  	v6 =	vshra.s32 v2, $0xE;
	s29 =	sadd.s32 $0x10, s28;
	v9 =	vld.idx.msk [tilespmem:v5+s2+$0x0], $0xffff  }
0x44: {  	v8 =	vshra.s32 v4, $0xE;
	s29 =	sor.u32 $0x80, s29;
	v12 =	vld.idx.msk [tilespmem:v7+s2+$0x0], $0xffff  }
0x45: {  	v14 =	vld [tilespmem:s29+$0xED00]  }
0x46: {  	v13 =	vand.u32 $0x3FFF, v1;
	s29 =	sadd.s32 $0x20, s28;
	s28 =	sor.u32 $0x80, s28  }
0x47: {  	v3 =	vand.u32 $0x3FFF, v3;
	v16 =	vld [tilespmem:s28+$0xED00]  }
0x48: {  	v11 =	vld.idx.msk [tilespmem:v6+s2+$0x0], $0xffff;
	v1 =	vshll.u32 v9, $0x10  }
0x49: {  	s29 =	sor.u32 $0x80, s29;
	v15 =	vld.idx.msk [tilespmem:v8+s2+$0x0], $0xffff;
	v18 =	vshll.u32 v12, $0x10;
	v1 =	vmul.f32 v1, v10  }
0x4a: {  	v17 =	vld [tilespmem:s29+$0xED00];
	v9 =	vand.u32 $0xFFFF0000, v9;
	v18 =	vmul.f32 v18, v14  }
0x4b: {  	v2 =	vand.u32 $0x3FFF, v2;
	v9 =	vmul.f32 v9, v10;
	[tilespmem:v13+s19+$0x0] =	vst.idx.add.f32.msk $0xffff, v1  }
0x4c: {  	v12 =	vand.u32 $0xFFFF0000, v12;
	[tilespmem:v3+s19+$0x0] =	vst.idx.add.f32.msk $0xffff, v18  }
0x4d: {  	v1 =	vand.u32 $0x3FFF, v4;
	v4 =	vshll.u32 v11, $0x10;
	[tilespmem:v13+s20+$0x0] =	vst.idx.add.f32.msk $0xffff, v9;
	v9 =	vmul.f32 v12, v14  }
0x4e: {  	s28 =	simm.s32 $0x40;
	s29 =	simm.s32 $0x80;
	v4 =	vmul.f32 v4, v16;
	v5 =	vld.idx.msk [tilespmem:v5+s15+$0x0], $0xffff  }
0x4f: {  	s30 =	sand.u32 $0x40, s28;
	s31 =	sand.u32 $0x7F00, s29;
	v11 =	vand.u32 $0xFFFF0000, v11;
	[tilespmem:v3+s20+$0x0] =	vst.idx.add.f32.msk $0xffff, v9  }
0x50: {  	s30 =	sor.u32 s30, s31;
	v12 =	vshll.u32 v15, $0x10;
	v11 =	vmul.f32 v11, v16;
	[tilespmem:v2+s19+$0x0] =	vst.idx.add.f32.msk $0xffff, v4  }
0x51: {  	v12 =	vmul.f32 v12, v17;
	v9 =	vand.u32 $0xFFFF0000, v15;
	v15 =	vld [tilespmem:s30+$0xED00]  }
0x52: {  	v4 =	vmul.f32 v9, v17;
	[tilespmem:v2+s20+$0x0] =	vst.idx.add.f32.msk $0xffff, v11  }
0x53: {  	[tilespmem:v1+s19+$0x0] =	vst.idx.add.f32.msk $0xffff, v12  }
0x54: {  	[tilespmem:v1+s20+$0x0] =	vst.idx.add.f32.msk $0xffff, v4;
	v4 =	vshll.u32 v5, $0x10  }
0x55: {  	v7 =	vld.idx.msk [tilespmem:v7+s15+$0x0], $0xffff;
	v4 =	vmul.f32 v4, v10  }
0x56: {  	v6 =	vld.idx.msk [tilespmem:v6+s15+$0x0], $0xffff  }
0x57: {  	v5 =	vand.u32 $0xFFFF0000, v5;
	[tilespmem:v13+s21+$0x0] =	vst.idx.add.f32.msk $0xffff, v4  }
0x58: {  	v4 =	vmul.f32 v5, v10;
	v5 =	vld [tilespmem:s30+$0xED30]  }
0x59: {  	v10 =	vld [tilespmem:s30+$0xED10]  }
0x5a: {  	v9 =	vshll.u32 v7, $0x10;
	[tilespmem:v13+s22+$0x0] =	vst.idx.add.f32.msk $0xffff, v4  }
0x5b: {  	p0 =	por !p0, !p0;
	v9 =	vmul.f32 v9, v14;
	v4 =	vshll.u32 v6, $0x10;
	v13 =	vld [tilespmem:s30+$0xED20];
	s30 =	simm.s32 $0x1  }
0x5c: {  	v8 =	vld.idx.msk [tilespmem:v8+s15+$0x0], $0xffff;
	v6 =	vand.u32 $0xFFFF0000, v6;
	v4 =	vmul.f32 v4, v16;
	s30 =	simm.s32 @!p0 $0x0  }
0x5d: {  	v7 =	vand.u32 $0xFFFF0000, v7;
	[tilespmem:v3+s21+$0x0] =	vst.idx.add.f32.msk $0xffff, v9;
	v6 =	vmul.f32 v6, v16;
	s30 =	sshll.u32 s30, $0x6;
	v16 =	vshra.s32 v5, $0xE  }
0x5e: {  	[tilespmem:v2+s21+$0x0] =	vst.idx.add.f32.msk $0xffff, v4;
	v4 =	vmul.f32 v7, v14;
	v7 =	vshra.s32 v10, $0xE;
	s30 =	sadd.s32 $0x80, s30  }
0x5f: {  	[tilespmem:v2+s22+$0x0] =	vst.idx.add.f32.msk $0xffff, v6;
	s1 =	sadd.s32 $0x30, s30  }
0x60: {  	v62 =	vshra.s32 v15, $0xE;
	[tilespmem:v3+s22+$0x0] =	vst.idx.add.f32.msk $0xffff, v4;
	s31 =	sor.u32 $0x80, s1  }
0x61: {  	v12 =	vld [tilespmem:s31+$0xED00]  }
0x62: {  	s0 =	sadd.s32 $0x10, s30;
	v3 =	vld.idx.msk [tilespmem:v16+s2+$0x0], $0xffff  }
0x63: {  	s31 =	sor.u32 $0x80, s0;
	v19 =	vld.idx.msk [tilespmem:v7+s2+$0x0], $0xffff  }
0x64: {  	v6 =	vshra.s32 v13, $0xE;
	v9 =	vld [tilespmem:s31+$0xED00]  }
0x65: {  	v14 =	vld.idx.msk [tilespmem:v62+s2+$0x0], $0xffff;
	v11 =	vand.u32 $0x3FFF, v5;
	v2 =	vshll.u32 v8, $0x10;
	s1 =	sadd.s32 $0x20, s30;
	s30 =	sor.u32 $0x80, s30  }
0x66: {  	v5 =	vmul.f32 v2, v17;
	v2 =	vand.u32 $0x3FFF, v10;
	s1 =	sor.u32 $0x80, s1;
	v10 =	vld [tilespmem:s30+$0xED00]  }
0x67: {  	v4 =	vld [tilespmem:s1+$0xED00];
	v21 =	vshll.u32 v3, $0x10  }
0x68: {  	[tilespmem:v1+s21+$0x0] =	vst.idx.add.f32.msk $0xffff, v5;
	v5 =	vand.u32 $0x3FFF, v15;
	v15 =	vshll.u32 v19, $0x10;
	v21 =	vmul.f32 v21, v12  }
0x69: {  	v20 =	vld.idx.msk [tilespmem:v6+s2+$0x0], $0xffff;
	v3 =	vand.u32 $0xFFFF0000, v3;
	v15 =	vmul.f32 v15, v9  }
0x6a: {  	v3 =	vmul.f32 v3, v12;
	[tilespmem:v11+s19+$0x0] =	vst.idx.add.f32.msk $0xffff, v21  }
0x6b: {  	v19 =	vand.u32 $0xFFFF0000, v19;
	[tilespmem:v2+s19+$0x0] =	vst.idx.add.f32.msk $0xffff, v15  }
0x6c: {  	v19 =	vmul.f32 v19, v9;
	[tilespmem:v11+s20+$0x0] =	vst.idx.add.f32.msk $0xffff, v3;
	v3 =	vand.u32 $0x3FFF, v13;
	v13 =	vshll.u32 v14, $0x10  }
0x6d: {  	v14 =	vand.u32 $0xFFFF0000, v14;
	v16 =	vld.idx.msk [tilespmem:v16+s15+$0x0], $0xffff;
	v13 =	vmul.f32 v13, v10  }
0x6e: {  	v15 =	vshll.u32 v20, $0x10;
	[tilespmem:v2+s20+$0x0] =	vst.idx.add.f32.msk $0xffff, v19;
	v14 =	vmul.f32 v14, v10  }
0x6f: {  	v63 =	vand.u32 $0xFFFF0000, v20;
	v15 =	vmul.f32 v15, v4;
	[tilespmem:v5+s19+$0x0] =	vst.idx.add.f32.msk $0xffff, v13  }
0x70: {  	v13 =	vmul.f32 v63, v4;
	[tilespmem:v5+s20+$0x0] =	vst.idx.add.f32.msk $0xffff, v14  }
0x71: {  	[tilespmem:v3+s19+$0x0] =	vst.idx.add.f32.msk $0xffff, v15  }
0x72: {  	v8 =	vand.u32 $0xFFFF0000, v8;
	[tilespmem:v3+s20+$0x0] =	vst.idx.add.f32.msk $0xffff, v13;
	v14 =	vshll.u32 v16, $0x10  }
0x73: {  	v8 =	vmul.f32 v8, v17;
	v13 =	vld.idx.msk [tilespmem:v62+s15+$0x0], $0xffff;
	v15 =	vand.u32 $0xFFFF0000, v16;
	v14 =	vmul.f32 v14, v12  }
.LBB2_5:
0x74: {  	s28 =	sadd.s32 $0x40, s28;
	v7 =	vld.idx.msk [tilespmem:v7+s15+$0x0], $0xffff;
	v12 =	vmul.f32 v15, v12;
	s29 =	sadd.s32 $0x80, s29  }
0x75: {  	s1 =	sand.u32 $0x40, s28;
	s30 =	sand.u32 $0x7F00, s29;
	[tilespmem:v11+s21+$0x0] =	vst.idx.add.f32.msk $0xffff, v14  }
0x76: {  	p1 =	slt.u32 s28, $0x3E40;
	s1 =	sor.u32 s1, s30;
	[tilespmem:v11+s22+$0x0] =	vst.idx.add.f32.msk $0xffff, v12  }
0x77: {  	v11 =	vld [tilespmem:s1+$0xED30]  }
0x78: {  	v12 =	vld [tilespmem:s1+$0xED00]  }
0x79: {  	v15 =	vshll.u32 v13, $0x10;
	v13 =	vand.u32 $0xFFFF0000, v13;
	v14 =	vld [tilespmem:s1+$0xED10]  }
0x7a: {  	v15 =	vmul.f32 v15, v10;
	v17 =	vshll.u32 v7, $0x10;
	v7 =	vand.u32 $0xFFFF0000, v7;
	v16 =	vld [tilespmem:s1+$0xED20]  }
0x7b: {  	v10 =	vmul.f32 v13, v10;
	v13 =	vmul.f32 v17, v9;
	v17 =	vld.idx.msk [tilespmem:v6+s15+$0x0], $0xffff  }
0x7c: {  	v9 =	vmul.f32 v7, v9;
	v18 =	vshra.s32 v11, $0xE;
	[tilespmem:v5+s21+$0x0] =	vst.idx.add.f32.msk $0xffff, v15  }
0x7d: {  	p0 =	por !p0, !p0;
	s1 =	simm.s32 $0x1;
	v15 =	vshra.s32 v12, $0xE;
	[tilespmem:v5+s22+$0x0] =	vst.idx.add.f32.msk $0xffff, v10;
	v5 =	vand.u32 $0x3FFF, v12  }
0x7e: {  	s1 =	simm.s32 @!p0 $0x0;
	v7 =	vshra.s32 v14, $0xE;
	v10 =	vand.u32 $0x3FFF, v14;
	[tilespmem:v2+s21+$0x0] =	vst.idx.add.f32.msk $0xffff, v13  }
0x7f: {  	s1 =	sshll.u32 s1, $0x6;
	v6 =	vshra.s32 v16, $0xE;
	v12 =	vand.u32 $0x3FFF, v16;
	[tilespmem:v2+s22+$0x0] =	vst.idx.add.f32.msk $0xffff, v9;
	v2 =	vmov v10  }
0x80: {  	s1 =	sadd.s32 s1, s29;
	[tilespmem:v1+s22+$0x0] =	vst.idx.add.f32.msk $0xffff, v8;
	v1 =	vmov v3;
	v3 =	vmov v12  }
0x81: {  	s30 =	sadd.s32 $0x10, s1;
	s31 =	sadd.s32 $0x20, s1;
	s0 =	sadd.s32 $0x30, s1;
	v8 =	vshll.u32 v17, $0x10;
	v9 =	vand.u32 $0xFFFF0000, v17;
	v13 =	vld.idx.msk [tilespmem:v18+s2+$0x0], $0xffff  }
0x82: {  	s30 =	sor.u32 $0x80, s30;
	s31 =	sor.u32 $0x80, s31;
	s0 =	sor.u32 $0x80, s0;
	v16 =	vmul.f32 v8, v4;
	v8 =	vmul.f32 v9, v4;
	v14 =	vld.idx.msk [tilespmem:v15+s2+$0x0], $0xffff  }
0x83: {  	s1 =	sor.u32 $0x80, s1;
	v12 =	vld [tilespmem:s0+$0xED00]  }
0x84: {  	v17 =	vld.idx.msk [tilespmem:v7+s2+$0x0], $0xffff  }
0x85: {  	v11 =	vand.u32 $0x3FFF, v11;
	v19 =	vld.idx.msk [tilespmem:v6+s2+$0x0], $0xffff  }
0x86: {  	v9 =	vld [tilespmem:s30+$0xED00]  }
0x87: {  	v20 =	vshll.u32 v13, $0x10;
	v4 =	vld [tilespmem:s31+$0xED00]  }
0x88: {  	v13 =	vand.u32 $0xFFFF0000, v13;
	v21 =	vshll.u32 v14, $0x10;
	v10 =	vld [tilespmem:s1+$0xED00];
	v20 =	vmul.f32 v20, v12  }
0x89: {  	v14 =	vand.u32 $0xFFFF0000, v14;
	v13 =	vmul.f32 v13, v12;
	[tilespmem:v1+s21+$0x0] =	vst.idx.add.f32.msk $0xffff, v16  }
0x8a: {  	v16 =	vshll.u32 v17, $0x10;
	v17 =	vand.u32 $0xFFFF0000, v17;
	[tilespmem:v11+s19+$0x0] =	vst.idx.add.f32.msk $0xffff, v20  }
0x8b: {  	v20 =	vshll.u32 v19, $0x10;
	v19 =	vand.u32 $0xFFFF0000, v19;
	v16 =	vmul.f32 v16, v9;
	[tilespmem:v11+s20+$0x0] =	vst.idx.add.f32.msk $0xffff, v13  }
0x8c: {  	v13 =	vmul.f32 v17, v9;
	v17 =	vmul.f32 v20, v4;
	v18 =	vld.idx.msk [tilespmem:v18+s15+$0x0], $0xffff  }
0x8d: {  	v20 =	vmul.f32 v21, v10;
	v14 =	vmul.f32 v14, v10;
	[tilespmem:v2+s19+$0x0] =	vst.idx.add.f32.msk $0xffff, v16  }
0x8e: {  	[tilespmem:v2+s20+$0x0] =	vst.idx.add.f32.msk $0xffff, v13;
	v13 =	vmul.f32 v19, v4  }
.Ltmp3:
0x8f: {  	[tilespmem:v5+s19+$0x0] =	vst.idx.add.f32.msk $0xffff, v20;
	(pc) =	sbr.rel @p1 .LBB2_5-.Ltmp3, $4  }
0x90: {  	[tilespmem:v5+s20+$0x0] =	vst.idx.add.f32.msk $0xffff, v14  }
0x91: {  	[tilespmem:v3+s19+$0x0] =	vst.idx.add.f32.msk $0xffff, v17  }
0x92: {  	v14 =	vshll.u32 v18, $0x10;
	[tilespmem:v3+s20+$0x0] =	vst.idx.add.f32.msk $0xffff, v13  }
0x93: {  	v14 =	vmul.f32 v14, v12;
	v13 =	vld.idx.msk [tilespmem:v15+s15+$0x0], $0xffff;
	v15 =	vand.u32 $0xFFFF0000, v18  }
0x94: {  	_ =	sdelay $0x3  }
0x95: {  	v7 =	vld.idx.msk [tilespmem:v7+s15+$0x0], $0xffff;
	_ =	sdelay $0x2  }
0x96: {  	v12 =	vmul.f32 v15, v12;
	v6 =	vld.idx.msk [tilespmem:v6+s15+$0x0], $0xffff;
	v15 =	vshll.u32 v13, $0x10  }
0x97: {  	[tilespmem:v11+s21+$0x0] =	vst.idx.add.f32.msk $0xffff, v14;
	v13 =	vand.u32 $0xFFFF0000, v13;
	v14 =	vmul.f32 v15, v10  }
0x98: {  	[tilespmem:v11+s22+$0x0] =	vst.idx.add.f32.msk $0xffff, v12;
	v11 =	vshll.u32 v7, $0x10;
	v10 =	vmul.f32 v13, v10  }
0x99: {  	v7 =	vand.u32 $0xFFFF0000, v7;
	v11 =	vmul.f32 v11, v9;
	[tilespmem:v5+s21+$0x0] =	vst.idx.add.f32.msk $0xffff, v14  }
0x9a: {  	p0 =	seq.s32 s26, $0x9;
	v7 =	vmul.f32 v7, v9;
	[tilespmem:v5+s22+$0x0] =	vst.idx.add.f32.msk $0xffff, v10  }
0x9b: {  	s0 =	smul.u32 @!p0 $0xFA00, s26;
	[tilespmem:v2+s21+$0x0] =	vst.idx.add.f32.msk $0xffff, v11;
	v5 =	vshll.u32 v6, $0x10  }
0x9c: {  	[tilespmem:v2+s22+$0x0] =	vst.idx.add.f32.msk $0xffff, v7;
	v2 =	vand.u32 $0xFFFF0000, v6;
	v5 =	vmul.f32 v5, v4  }
0x9d: {  	[tilespmem:v1+s22+$0x0] =	vst.idx.add.f32.msk $0xffff, v8;
	s0 =	sshrl.u32 @!p0 s0, $0x3;
	v1 =	vmul.f32 v2, v4  }
0x9e: {  	s31 =	simm.s32 $0x0;
	s30 =	simm.s32 $0x0;
	s0 =	sadd.s32 @!p0 s3, s0;
	[tilespmem:v3+s21+$0x0] =	vst.idx.add.f32.msk $0xffff, v5  }
0x9f: {  	s1 =	simm.s32 @!p0 $0x0;
	s28 =	simm.s32 @!p0 $0xED00;
	s0 =	sadd.s32 @!p0 $0x1F40, s0;
	[tilespmem:v3+s22+$0x0] =	vst.idx.add.f32.msk $0xffff, v1  }
0xa0: {  	[tilespmem:s28], [sflag:$0x1] =	stream.linear.gather @!p0 [hbm4b:s0+s1], $0x7D00, $0x38;
	[tilespmem:$0x1E700] =	vst v63  }
0xa1: {  	s1 =	sand.u32 $0x40, s30;
	s0 =	sand.u32 $0x7F00, s31;
	_ =	swait.ge [sflag:s23], $0x7D00  }
0xa2: {  	s0 =	sor.u32 s1, s0;
	[sflag:s23] =	ssyncset.done $0x0  }
0xa3: {  	s1 =	sadd.s32 $0x16A00, s0;
	[sflag:s23] =	ssyncadd.s32 $0xFFFF8300  }
0xa4: {  	v1 =	vld [tilespmem:s1+$0x30]  }
0xa5: {  	v2 =	vld [tilespmem:s1+$0x10];
	_ =	sdelay $0x1  }
0xa6: {  	p1 =	por $0x0, $0x0;
	v4 =	vld [tilespmem:s0+$0x16A00];
	s0 =	simm.s32 $0x1  }
0xa7: {  	s0 =	simm.s32 @!p1 $0x0  }
0xa8: {  	v3 =	vld [tilespmem:s1+$0x20];
	s0 =	sshll.u32 s0, $0x6;
	v5 =	vshra.s32 v1, $0xE  }
0xa9: {  	s0 =	sadd.s32 $0x0, s0;
	v6 =	vshra.s32 v2, $0xE  }
0xaa: {  	s31 =	sadd.s32 $0x30, s0  }
0xab: {  	s1 =	sor.u32 $0x80, s31  }
0xac: {  	v10 =	vld [tilespmem:s1+$0x16A00]  }
0xad: {  	s30 =	sadd.s32 $0x10, s0;
	v7 =	vshra.s32 v3, $0xE;
	v9 =	vld.idx.msk [tilespmem:v5+s2+$0x0], $0xffff  }
0xae: {  	s1 =	sor.u32 $0x80, s30;
	v11 =	vld.idx.msk [tilespmem:v6+s2+$0x0], $0xffff  }
0xaf: {  	v8 =	vshra.s32 v4, $0xE;
	v14 =	vld [tilespmem:s1+$0x16A00]  }
0xb0: {  	s28 =	sadd.s32 $0x20, s0;
	s0 =	sor.u32 $0x80, s0;
	v13 =	vand.u32 $0x3FFF, v1  }
0xb1: {  	v2 =	vand.u32 $0x3FFF, v2;
	v17 =	vld [tilespmem:s0+$0x16A00]  }
0xb2: {  	s31 =	sor.u32 $0x80, s28;
	v12 =	vld.idx.msk [tilespmem:v7+s2+$0x0], $0xffff;
	v1 =	vshll.u32 v9, $0x10  }
0xb3: {  	v16 =	vld [tilespmem:s31+$0x16A00];
	v18 =	vshll.u32 v11, $0x10;
	v1 =	vmul.f32 v1, v10  }
0xb4: {  	v15 =	vld.idx.msk [tilespmem:v8+s2+$0x0], $0xffff;
	v9 =	vand.u32 $0xFFFF0000, v9;
	v18 =	vmul.f32 v18, v14  }
0xb5: {  	v3 =	vand.u32 $0x3FFF, v3;
	v9 =	vmul.f32 v9, v10;
	[tilespmem:v13+s19+$0x0] =	vst.idx.add.f32.msk $0xffff, v1  }
0xb6: {  	v11 =	vand.u32 $0xFFFF0000, v11;
	[tilespmem:v2+s19+$0x0] =	vst.idx.add.f32.msk $0xffff, v18  }
0xb7: {  	v1 =	vand.u32 $0x3FFF, v4;
	v4 =	vshll.u32 v12, $0x10;
	[tilespmem:v13+s20+$0x0] =	vst.idx.add.f32.msk $0xffff, v9;
	v9 =	vmul.f32 v11, v14  }
0xb8: {  	s29 =	simm.s32 $0x80;
	s28 =	simm.s32 $0x40;
	v4 =	vmul.f32 v4, v16;
	v5 =	vld.idx.msk [tilespmem:v5+s15+$0x0], $0xffff  }
0xb9: {  	s30 =	sand.u32 $0x40, s28;
	s31 =	sand.u32 $0x7F00, s29;
	v11 =	vand.u32 $0xFFFF0000, v12;
	[tilespmem:v2+s20+$0x0] =	vst.idx.add.f32.msk $0xffff, v9  }
0xba: {  	s0 =	sor.u32 s30, s31;
	v12 =	vshll.u32 v15, $0x10;
	v11 =	vmul.f32 v11, v16;
	[tilespmem:v3+s19+$0x0] =	vst.idx.add.f32.msk $0xffff, v4  }
0xbb: {  	v12 =	vmul.f32 v12, v17;
	v9 =	vand.u32 $0xFFFF0000, v15;
	v15 =	vld [tilespmem:s0+$0x16A00]  }
0xbc: {  	v4 =	vmul.f32 v9, v17;
	[tilespmem:v3+s20+$0x0] =	vst.idx.add.f32.msk $0xffff, v11  }
0xbd: {  	[tilespmem:v1+s19+$0x0] =	vst.idx.add.f32.msk $0xffff, v12  }
0xbe: {  	[tilespmem:v1+s20+$0x0] =	vst.idx.add.f32.msk $0xffff, v4;
	v4 =	vshll.u32 v5, $0x10  }
0xbf: {  	v6 =	vld.idx.msk [tilespmem:v6+s15+$0x0], $0xffff;
	v4 =	vmul.f32 v4, v10  }
0xc0: {  	v7 =	vld.idx.msk [tilespmem:v7+s15+$0x0], $0xffff  }
0xc1: {  	s1 =	sadd.s32 $0x16A00, s0;
	v5 =	vand.u32 $0xFFFF0000, v5;
	[tilespmem:v13+s21+$0x0] =	vst.idx.add.f32.msk $0xffff, v4  }
0xc2: {  	v4 =	vmul.f32 v5, v10;
	v5 =	vld [tilespmem:s1+$0x30]  }
0xc3: {  	p1 =	por !p1, !p1;
	s0 =	simm.s32 $0x1;
	v9 =	vld [tilespmem:s1+$0x10]  }
0xc4: {  	s0 =	simm.s32 @!p1 $0x0;
	v62 =	vld.idx.msk [tilespmem:v8+s15+$0x0], $0xffff;
	v10 =	vshll.u32 v6, $0x10  }
0xc5: {  	s0 =	sshll.u32 s0, $0x6;
	v11 =	vshll.u32 v7, $0x10;
	v10 =	vmul.f32 v10, v14;
	[tilespmem:v13+s22+$0x0] =	vst.idx.add.f32.msk $0xffff, v4  }
0xc6: {  	s0 =	sadd.s32 $0x80, s0;
	v6 =	vand.u32 $0xFFFF0000, v6;
	v11 =	vmul.f32 v11, v16;
	v4 =	vld [tilespmem:s1+$0x20]  }
0xc7: {  	s30 =	sadd.s32 $0x30, s0;
	v6 =	vmul.f32 v6, v14;
	[tilespmem:v2+s21+$0x0] =	vst.idx.add.f32.msk $0xffff, v10;
	v14 =	vshra.s32 v5, $0xE  }
0xc8: {  	v8 =	vand.u32 $0xFFFF0000, v7;
	s1 =	sor.u32 $0x80, s30;
	[tilespmem:v3+s21+$0x0] =	vst.idx.add.f32.msk $0xffff, v11  }
0xc9: {  	v7 =	vshra.s32 v9, $0xE;
	v10 =	vmul.f32 v8, v16;
	v13 =	vld [tilespmem:s1+$0x16A00]  }
0xca: {  	[tilespmem:v2+s22+$0x0] =	vst.idx.add.f32.msk $0xffff, v6  }
0xcb: {  	s31 =	sadd.s32 $0x10, s0;
	[tilespmem:v3+s22+$0x0] =	vst.idx.add.f32.msk $0xffff, v10  }
0xcc: {  	s1 =	sor.u32 $0x80, s31;
	v8 =	vshra.s32 v4, $0xE;
	v3 =	vld.idx.msk [tilespmem:v14+s2+$0x0], $0xffff  }
0xcd: {  	s30 =	sadd.s32 $0x20, s0;
	v11 =	vld [tilespmem:s1+$0x16A00]  }
0xce: {  	s30 =	sor.u32 $0x80, s30;
	v6 =	vshra.s32 v15, $0xE;
	v16 =	vld.idx.msk [tilespmem:v7+s2+$0x0], $0xffff  }
0xcf: {  	s0 =	sor.u32 $0x80, s0;
	v2 =	vshll.u32 v62, $0x10;
	v12 =	vand.u32 $0x3FFF, v5;
	v10 =	vld [tilespmem:s30+$0x16A00]  }
0xd0: {  	v21 =	vmul.f32 v2, v17;
	v5 =	vld [tilespmem:s0+$0x16A00]  }
0xd1: {  	v19 =	vld.idx.msk [tilespmem:v8+s2+$0x0], $0xffff;
	v22 =	vshll.u32 v3, $0x10  }
0xd2: {  	v2 =	vand.u32 $0x3FFF, v9;
	[tilespmem:v1+s21+$0x0] =	vst.idx.add.f32.msk $0xffff, v21;
	v3 =	vand.u32 $0xFFFF0000, v3;
	v9 =	vmul.f32 v22, v13  }
0xd3: {  	v20 =	vld.idx.msk [tilespmem:v6+s2+$0x0], $0xffff;
	v63 =	vmul.f32 v3, v13  }
0xd4: {  	v3 =	vand.u32 $0x3FFF, v4;
	v4 =	vshll.u32 v16, $0x10;
	[tilespmem:v12+s19+$0x0] =	vst.idx.add.f32.msk $0xffff, v9  }
0xd5: {  	v9 =	vand.u32 $0xFFFF0000, v16;
	v16 =	vmul.f32 v4, v11;
	[tilespmem:v12+s20+$0x0] =	vst.idx.add.f32.msk $0xffff, v63  }
0xd6: {  	v4 =	vand.u32 $0x3FFF, v15;
	v15 =	vshll.u32 v19, $0x10;
	v9 =	vmul.f32 v9, v11;
	v14 =	vld.idx.msk [tilespmem:v14+s15+$0x0], $0xffff  }
0xd7: {  	v19 =	vand.u32 $0xFFFF0000, v19;
	v15 =	vmul.f32 v15, v10;
	[tilespmem:v2+s19+$0x0] =	vst.idx.add.f32.msk $0xffff, v16  }
0xd8: {  	v19 =	vmul.f32 v19, v10;
	v16 =	vshll.u32 v20, $0x10;
	[tilespmem:v2+s20+$0x0] =	vst.idx.add.f32.msk $0xffff, v9  }
0xd9: {  	v9 =	vand.u32 $0xFFFF0000, v20;
	v16 =	vmul.f32 v16, v5;
	[tilespmem:v3+s19+$0x0] =	vst.idx.add.f32.msk $0xffff, v15  }
0xda: {  	v15 =	vmul.f32 v9, v5;
	[tilespmem:v3+s20+$0x0] =	vst.idx.add.f32.msk $0xffff, v19  }
0xdb: {  	v9 =	vand.u32 $0xFFFF0000, v62;
	[tilespmem:v4+s19+$0x0] =	vst.idx.add.f32.msk $0xffff, v16  }
0xdc: {  	v9 =	vmul.f32 v9, v17;
	[tilespmem:v4+s20+$0x0] =	vst.idx.add.f32.msk $0xffff, v15;
	v15 =	vshll.u32 v14, $0x10  }
.LBB2_7:
0xdd: {  	s28 =	sadd.s32 $0x40, s28;
	v7 =	vld.idx.msk [tilespmem:v7+s15+$0x0], $0xffff;
	v14 =	vand.u32 $0xFFFF0000, v14;
	v15 =	vmul.f32 v15, v13;
	s29 =	sadd.s32 $0x80, s29  }
0xde: {  	s0 =	sand.u32 $0x40, s28;
	s1 =	sand.u32 $0x7F00, s29;
	v8 =	vld.idx.msk [tilespmem:v8+s15+$0x0], $0xffff;
	v13 =	vmul.f32 v14, v13  }
0xdf: {  	p2 =	slt.u32 s28, $0x3E40;
	s0 =	sor.u32 s0, s1;
	[tilespmem:v12+s21+$0x0] =	vst.idx.add.f32.msk $0xffff, v15  }
0xe0: {  	s1 =	sadd.s32 $0x16A00, s0;
	[tilespmem:v12+s22+$0x0] =	vst.idx.add.f32.msk $0xffff, v13  }
0xe1: {  	v12 =	vld [tilespmem:s1+$0x30]  }
0xe2: {  	v13 =	vld [tilespmem:s1+$0x10]  }
0xe3: {  	v15 =	vshll.u32 v7, $0x10;
	v7 =	vand.u32 $0xFFFF0000, v7;
	v14 =	vld [tilespmem:s1+$0x20]  }
0xe4: {  	v15 =	vmul.f32 v15, v11;
	v17 =	vshll.u32 v8, $0x10;
	v8 =	vand.u32 $0xFFFF0000, v8;
	v16 =	vld [tilespmem:s0+$0x16A00]  }
0xe5: {  	v18 =	vld.idx.msk [tilespmem:v6+s15+$0x0], $0xffff;
	v6 =	vmul.f32 v7, v11;
	v11 =	vmul.f32 v17, v10  }
0xe6: {  	v10 =	vmul.f32 v8, v10;
	v17 =	vshra.s32 v12, $0xE;
	[tilespmem:v2+s21+$0x0] =	vst.idx.add.f32.msk $0xffff, v15  }
0xe7: {  	p1 =	por !p1, !p1;
	s0 =	simm.s32 $0x1;
	v7 =	vshra.s32 v13, $0xE;
	[tilespmem:v2+s22+$0x0] =	vst.idx.add.f32.msk $0xffff, v6;
	v2 =	vand.u32 $0x3FFF, v13  }
0xe8: {  	s0 =	simm.s32 @!p1 $0x0;
	v8 =	vshra.s32 v14, $0xE;
	v13 =	vand.u32 $0x3FFF, v14;
	[tilespmem:v3+s21+$0x0] =	vst.idx.add.f32.msk $0xffff, v11  }
0xe9: {  	s0 =	sshll.u32 s0, $0x6;
	v6 =	vshra.s32 v16, $0xE;
	v11 =	vand.u32 $0x3FFF, v16;
	[tilespmem:v3+s22+$0x0] =	vst.idx.add.f32.msk $0xffff, v10;
	v3 =	vmov v13  }
0xea: {  	s0 =	sadd.s32 s0, s29;
	[tilespmem:v1+s22+$0x0] =	vst.idx.add.f32.msk $0xffff, v9;
	v1 =	vmov v4;
	v4 =	vmov v11  }
0xeb: {  	s1 =	sadd.s32 $0x10, s0;
	s30 =	sadd.s32 $0x20, s0;
	s31 =	sadd.s32 $0x30, s0;
	v9 =	vshll.u32 v18, $0x10;
	v10 =	vand.u32 $0xFFFF0000, v18;
	v14 =	vld.idx.msk [tilespmem:v17+s2+$0x0], $0xffff  }
0xec: {  	s1 =	sor.u32 $0x80, s1;
	s30 =	sor.u32 $0x80, s30;
	s31 =	sor.u32 $0x80, s31;
	v16 =	vmul.f32 v9, v5;
	v9 =	vmul.f32 v10, v5;
	v15 =	vld.idx.msk [tilespmem:v7+s2+$0x0], $0xffff  }
0xed: {  	s0 =	sor.u32 $0x80, s0;
	v13 =	vld [tilespmem:s31+$0x16A00]  }
0xee: {  	v18 =	vld.idx.msk [tilespmem:v8+s2+$0x0], $0xffff  }
0xef: {  	v12 =	vand.u32 $0x3FFF, v12;
	v19 =	vld.idx.msk [tilespmem:v6+s2+$0x0], $0xffff  }
0xf0: {  	v11 =	vld [tilespmem:s1+$0x16A00]  }
0xf1: {  	v20 =	vshll.u32 v14, $0x10;
	v10 =	vld [tilespmem:s30+$0x16A00]  }
0xf2: {  	v14 =	vand.u32 $0xFFFF0000, v14;
	v21 =	vshll.u32 v15, $0x10;
	v5 =	vld [tilespmem:s0+$0x16A00];
	v20 =	vmul.f32 v20, v13  }
0xf3: {  	v15 =	vand.u32 $0xFFFF0000, v15;
	v14 =	vmul.f32 v14, v13;
	[tilespmem:v1+s21+$0x0] =	vst.idx.add.f32.msk $0xffff, v16  }
0xf4: {  	v16 =	vshll.u32 v18, $0x10;
	v18 =	vand.u32 $0xFFFF0000, v18;
	[tilespmem:v12+s19+$0x0] =	vst.idx.add.f32.msk $0xffff, v20  }
0xf5: {  	v20 =	vshll.u32 v19, $0x10;
	v19 =	vand.u32 $0xFFFF0000, v19;
	v21 =	vmul.f32 v21, v11;
	[tilespmem:v12+s20+$0x0] =	vst.idx.add.f32.msk $0xffff, v14  }
0xf6: {  	v15 =	vmul.f32 v15, v11;
	v16 =	vmul.f32 v16, v10;
	v14 =	vld.idx.msk [tilespmem:v17+s15+$0x0], $0xffff  }
0xf7: {  	v18 =	vmul.f32 v18, v10;
	v17 =	vmul.f32 v20, v5;
	[tilespmem:v2+s19+$0x0] =	vst.idx.add.f32.msk $0xffff, v21  }
.Ltmp4:
0xf8: {  	v19 =	vmul.f32 v19, v5;
	[tilespmem:v2+s20+$0x0] =	vst.idx.add.f32.msk $0xffff, v15;
	(pc) =	sbr.rel @p2 .LBB2_7-.Ltmp4, $4  }
0xf9: {  	[tilespmem:v3+s19+$0x0] =	vst.idx.add.f32.msk $0xffff, v16  }
0xfa: {  	[tilespmem:v3+s20+$0x0] =	vst.idx.add.f32.msk $0xffff, v18  }
0xfb: {  	[tilespmem:v4+s19+$0x0] =	vst.idx.add.f32.msk $0xffff, v17  }
0xfc: {  	v15 =	vshll.u32 v14, $0x10;
	[tilespmem:v4+s20+$0x0] =	vst.idx.add.f32.msk $0xffff, v19  }
0xfd: {  	_ =	sdelay $0x3  }
0xfe: {  	v7 =	vld.idx.msk [tilespmem:v7+s15+$0x0], $0xffff  }
0xff: {  	v8 =	vld.idx.msk [tilespmem:v8+s15+$0x0], $0xffff;
	_ =	sdelay $0x3  }
0x100: {  	v14 =	vand.u32 $0xFFFF0000, v14;
	v15 =	vmul.f32 v15, v13;
	v6 =	vld.idx.msk [tilespmem:v6+s15+$0x0], $0xffff;
	v61 =	vshll.u32 v7, $0x10  }
0x101: {  	[tilespmem:v1+s22+$0x0] =	vst.idx.add.f32.msk $0xffff, v9;
	v60 =	vmul.f32 v14, v13;
	v62 =	vshll.u32 v8, $0x10;
	v14 =	vmul.f32 v61, v11  }
0x102: {  	[tilespmem:v12+s21+$0x0] =	vst.idx.add.f32.msk $0xffff, v15;
	v7 =	vand.u32 $0xFFFF0000, v7;
	v63 =	vmul.f32 v62, v10  }
0x103: {  	v8 =	vand.u32 $0xFFFF0000, v8;
	v7 =	vmul.f32 v7, v11;
	[tilespmem:v2+s21+$0x0] =	vst.idx.add.f32.msk $0xffff, v14  }
0x104: {  	v8 =	vmul.f32 v8, v10;
	[tilespmem:v3+s21+$0x0] =	vst.idx.add.f32.msk $0xffff, v63  }
.Ltmp5:
0x105: {  	[tilespmem:v2+s22+$0x0] =	vst.idx.add.f32.msk $0xffff, v7;
	v2 =	vshll.u32 v6, $0x10;
	(pc) =	sbr.rel @p0 .LBB2_10-.Ltmp5, $4  }
0x106: {  	[tilespmem:v3+s22+$0x0] =	vst.idx.add.f32.msk $0xffff, v8;
	v3 =	vand.u32 $0xFFFF0000, v6;
	v2 =	vmul.f32 v2, v5  }
0x107: {  	[tilespmem:v12+s22+$0x0] =	vst.idx.add.f32.msk $0xffff, v60;
	v1 =	vmul.f32 v3, v5  }
0x108: {  	[tilespmem:v4+s21+$0x0] =	vst.idx.add.f32.msk $0xffff, v2  }
0x109: {  	[tilespmem:v4+s22+$0x0] =	vst.idx.add.f32.msk $0xffff, v1  }
0x10a: {  	s0 =	smul.u32 $0xFA00, s26  }
.Ltmp6:
0x10b: {  	_ = 	snop;
	(pc) =	sbr.rel .LBB2_4-.Ltmp6, $4  }
0x10c: {  	s0 =	sshrl.u32 s0, $0x3  }
0x10d: {  	s0 =	sadd.s32 s3, s0  }
0x10e: {  	s26 =	sadd.s32 $0x1, s26;
	s0 =	sadd.s32 $0x2EE0, s0  }
0x10f: {  	[tilespmem:s17], [sflag:$0x2] =	stream.linear.gather [hbm4b:s0+s2], $0x7D00, $0x38;
	[tilespmem:$0x1E700] =	vst v63  }
.LBB2_11:
0x110: {  	_ =	sfence.sel $0x180000  }
0x111: {  	[bflag:$0x0] =	sbarrier.arrive $0xFFFF  }
0x112: {  	_ =	strace $0x90000047  }
0x113: {  	s0 =	stileid.u32;
	[bflag:$0x2] =	sbarrier.arrive $0xFFFF  }
0x114: {  	p0 =	sne.s32 s0, $0x0;
	s0 =	rddreg [dreg:$0x2]  }
0x115: {  	s0 =	sadd.s32 @!p0 $0x100000, s0  }
0x116: {  	[sflag:s0] =	ssyncadd.tile.s32 @!p0 $0x1;
	_ =	shalt  }
.Lfunc_end2:
_tile_overlayer_lowered:
.L_overlay_start_2:
0x117: {  	(tag) =	ssettag $0x2  }
0x118: {  	s0 =	rddreg [dreg:$0x0];
	s2 =	stileid.u32  }
0x119: {  	s1 =	rddreg [dreg:$0x1];
	p0 =	sne.s32 s2, $0x0  }
0x11a: {  	s3 =	rddreg [dreg:$0x2];
	[bflag:$0x3] =	sbarrier.arrive $0xFFFF;
	s2 =	simm.s32 @!p0 $0x1C03  }
0x11b: {  	[timem:s3], [sflag:s2] =	dma.local @!p0 [hbm:s0], s1  }
0x11c: {  	s0 =	simm.s32 @!p0 $0x3  }
0x11d: {  	_ =	swait.ge @!p0 [sflag:s0], s1  }
0x11e: {  	s1 =	ssub.s32 @!p0 $0x0, s1;
	[sflag:s0] =	ssyncset.done @!p0 $0x0  }
0x11f: {  	[sflag:s0] =	ssyncadd.s32 @!p0 s1  }
0x120: {  	[bflag:$0x3] =	sbarrier.arrive $0xFFFF  }
0x121: {  	_ =	shalt  }

</sc_bundles>
